<compile_context>
chip_gen: v7x
topology: tpu7x:2x2x1
jax: 0.10.2.dev20260603
libtpu: 0.0.44.dev20260713+nightly
codegen_flags: <defaults>
</compile_context>

<pallas_src>
import functools

import jax
import jax.numpy as jnp
from jax import lax
from jax.experimental import pallas as pl
from jax.experimental.pallas import tpu as pltpu
from jax.experimental.pallas import tpu_sc as plsc



def _sc_relayout(embT, tail128, slab):
    E, V = embT.shape
    Vmain = (V // slab) * slab
    n_slabs = Vmain // slab
    NW = 32
    mesh = plsc.VectorSubcoreMesh(core_axis_name="c", subcore_axis_name="s")
    num_cores = 2
    out_rows_per_slab = slab // 2
    n_tail = tail128.shape[0]

    @functools.partial(
        pl.kernel,
        mesh=mesh,
        out_type=jax.ShapeDtypeStruct((V // 2, 2 * E), jnp.float32),
        compiler_params=pltpu.CompilerParams(
            use_tc_tiling_on_sc=True, needs_layout_passes=False),
        scratch_types=[
            pltpu.VMEM((E, slab), jnp.float32),
            pltpu.VMEM((out_rows_per_slab, 2 * E), jnp.float32),
            pltpu.VMEM((n_tail, 2 * E), jnp.float32),
            pltpu.SemaphoreType.DMA,
        ],
    )
    def relayout_kernel(embT_hbm, tail_hbm, out_hbm, slab_v, blk_v,
                        tail_v, sem):
        wid = lax.axis_index("s") * num_cores + lax.axis_index("c")
        lane = lax.iota(jnp.int32, 16)
        n_iters = (n_slabs + NW - 1) // NW

        @pl.when(wid == 0)
        def _():
            pltpu.sync_copy(tail_hbm, tail_v)
            pltpu.sync_copy(tail_v, out_hbm.at[pl.ds(Vmain // 2, n_tail)])

        def do_slab(j, carry):
            s = wid + j * NW

            @pl.when(s < n_slabs)
            def _():
                pltpu.sync_copy(
                    embT_hbm.at[:, pl.ds(s * slab, slab)], slab_v)

                @functools.partial(
                    plsc.parallel_loop, 0, out_rows_per_slab, unroll=16)
                def row(k):
                    for j2 in range(0, 2 * E, 16):
                        evec = (j2 % E) + lane
                        ivec = jnp.full((16,), 2 * k + (j2 // E), jnp.int32)
                        vals = plsc.load_gather(slab_v, [evec, ivec])
                        plsc.store_scatter(
                            blk_v,
                            [jnp.full((16,), k, jnp.int32), j2 + lane],
                            vals)

            plsc.subcore_barrier()

            @pl.when(s < n_slabs)
            def _():
                pltpu.sync_copy(
                    blk_v,
                    out_hbm.at[pl.ds(s * out_rows_per_slab,
                                     out_rows_per_slab)])
            return carry

        lax.fori_loop(0, n_iters, do_slab, 0)

    return relayout_kernel(embT, tail128)



def _sc_gather_pair(emb128, idsh, parr, n_chunks, chunk):
    NW = idsh.shape[0]
    n_per_w = n_chunks * chunk
    N = NW * n_per_w
    E = 64
    mesh = plsc.VectorSubcoreMesh(core_axis_name="c", subcore_axis_name="s")
    num_cores = 2
    groups = chunk // 16

    @functools.partial(
        pl.kernel,
        mesh=mesh,
        out_type=jax.ShapeDtypeStruct((N, E), jnp.float32),
        compiler_params=pltpu.CompilerParams(
            use_tc_tiling_on_sc=True, needs_layout_passes=False),
        scratch_types=[
            pltpu.VMEM((n_chunks, chunk), jnp.int32),
            pltpu.VMEM((n_chunks, chunk), jnp.int32),
            pltpu.VMEM((chunk, 128), jnp.float32),
            pltpu.VMEM((chunk, 128), jnp.float32),
            pltpu.VMEM((chunk, E), jnp.float32),
            pltpu.SemaphoreType.DMA,
            pltpu.SemaphoreType.DMA,
        ],
    )
    def gather_kernel(emb_hbm, idsh_hbm, parr_hbm, out_hbm,
                      idx_v, par_v, buf0, buf1, sel, sem0, sem1):
        wid = lax.axis_index("s") * num_cores + lax.axis_index("c")
        base = wid * n_per_w
        pltpu.sync_copy(idsh_hbm.at[wid], idx_v)
        pltpu.sync_copy(parr_hbm.at[wid], par_v)
        lane = lax.iota(jnp.int32, 16)
        bufs = (buf0, buf1)
        sems = (sem0, sem1)

        def do_chunk(ci, par):
            buf = bufs[par]
            pltpu.async_copy(
                emb_hbm.at[idx_v.at[ci]], buf, sems[par]).wait()

            plsc.subcore_barrier()

            @functools.partial(plsc.parallel_loop, 0, groups, unroll=4)
            def grp(g):
                rows = g * 16 + lane
                pvec = par_v.at[ci][pl.ds(g * 16, 16)] * 64
                for c in range(E):
                    vals = plsc.load_gather(buf, [rows, pvec + c])
                    plsc.store_scatter(
                        sel, [rows, jnp.full((16,), c, jnp.int32)], vals)

            plsc.subcore_barrier()
            pltpu.sync_copy(
                sel, out_hbm.at[pl.ds(base + ci * chunk, chunk)])

        def chunk_pair(j, carry):
            do_chunk(2 * j, 0)
            do_chunk(2 * j + 1, 1)
            return carry

        lax.fori_loop(0, n_chunks // 2, chunk_pair, 0)

    return gather_kernel(emb128, idsh, parr)



def _lstm_body(S, B, E, H, xseq_ref, wih_ref, whh_ref, b_ref, wfc_ref,
               bfc_ref, y_ref, h_scr, c_scr):
    h_scr[...] = jnp.zeros((B, H), jnp.float32)
    c_scr[...] = jnp.zeros((B, H), jnp.float32)

    def step(t, carry):
        x_t = xseq_ref[t]
        h = h_scr[...]
        c = c_scr[...]
        gates = (
            jnp.dot(x_t, wih_ref[...], preferred_element_type=jnp.float32)
            + jnp.dot(h, whh_ref[...], preferred_element_type=jnp.float32)
            + b_ref[...]
        )
        i = jax.nn.sigmoid(gates[:, 0:H])
        f = jax.nn.sigmoid(gates[:, H:2 * H])
        g = jnp.tanh(gates[:, 2 * H:3 * H])
        o = jax.nn.sigmoid(gates[:, 3 * H:4 * H])
        c_new = f * c + i * g
        h_new = o * jnp.tanh(c_new)
        h_scr[...] = h_new
        c_scr[...] = c_new
        return carry

    lax.fori_loop(0, S, step, 0)
    y_ref[...] = (
        jnp.dot(h_scr[...], wfc_ref[...], preferred_element_type=jnp.float32)
        + bfc_ref[...]
    )


def _tc_lstm(xseq, wihT, whhT, bias, wfcT, bfc):
    S, B, E = xseq.shape
    H = whhT.shape[0]
    CLS = wfcT.shape[1]
    body = functools.partial(_lstm_body, S, B, E, H)
    return pl.pallas_call(
        body,
        out_shape=jax.ShapeDtypeStruct((B, CLS), jnp.float32),
        scratch_shapes=[
            pltpu.VMEM((B, H), jnp.float32),
            pltpu.VMEM((B, H), jnp.float32),
        ],
    )(xseq, wihT, whhT, bias, wfcT, bfc)



def kernel(x, emb, W_ih, W_hh, b_ih, b_hh, W_fc, b_fc):
    B, S = x.shape
    E = emb.shape[1]
    H = W_hh.shape[1]
    NW = 32
    chunk = 80
    N = B * S
    n_per_w = N // NW
    n_chunks = n_per_w // chunk
    assert n_chunks * chunk * NW == N

    V = emb.shape[0]
    slab = 512
    Vmain = (V // slab) * slab
    embT = jnp.transpose(emb)
    tail128 = emb[Vmain:].reshape(-1, 2 * E)
    emb128 = _sc_relayout(embT, tail128, slab)
    ids = jnp.transpose(x).reshape(NW, n_chunks, chunk).astype(jnp.int32)
    idsh = ids >> 1
    parr = ids & 1
    gathered = _sc_gather_pair(emb128, idsh, parr, n_chunks, chunk)
    xseq = gathered.reshape(S, B, E)

    wihT = jnp.transpose(W_ih)
    whhT = jnp.transpose(W_hh)
    bias = (b_ih + b_hh).reshape(1, 4 * H)
    wfcT = jnp.transpose(W_fc)
    bfc = b_fc.reshape(1, -1)

    return _tc_lstm(xseq, wihT, whhT, bias, wfcT, bfc)

# --- scband reference (transcript-rebuilt; emitter-appended) ---
"""Pipeline reference for scband-lstmmodel-text-76012331204991 (READ-ONLY COPY).

The authoritative reference and input builder live on the scoring server;
editing this copy changes nothing except your own understanding.
"""

import jax, jax.numpy as jnp
import numpy as np

VOCAB = 1000000
EMBED = 64
HIDDEN = 64
CLASSES = 10
B = 1024
S = 50

def setup_inputs(seed: int = 0) -> dict:
    key = jax.random.key(seed)
    ks = jax.random.split(key, 8)
    x = jax.random.randint(ks[0], (B, S), 0, VOCAB, dtype=jnp.int64) if jax.config.jax_enable_x64 else jax.random.randint(ks[0], (B, S), 0, VOCAB).astype(jnp.int32)
    emb = jax.random.normal(ks[1], (VOCAB, EMBED), dtype=jnp.float32) * 0.02
    emb = emb.at[0].set(0.0)  # padding_idx=0
    k = 1.0 / np.sqrt(HIDDEN)
    W_ih = jax.random.uniform(ks[2], (4 * HIDDEN, EMBED), dtype=jnp.float32, minval=-k, maxval=k)
    W_hh = jax.random.uniform(ks[3], (4 * HIDDEN, HIDDEN), dtype=jnp.float32, minval=-k, maxval=k)
    b_ih = jax.random.uniform(ks[4], (4 * HIDDEN,), dtype=jnp.float32, minval=-k, maxval=k)
    b_hh = jax.random.uniform(ks[5], (4 * HIDDEN,), dtype=jnp.float32, minval=-k, maxval=k)
    kf = 1.0 / np.sqrt(HIDDEN)
    W_fc = jax.random.uniform(ks[6], (CLASSES, HIDDEN), dtype=jnp.float32, minval=-kf, maxval=kf)
    b_fc = jax.random.uniform(ks[7], (CLASSES,), dtype=jnp.float32, minval=-kf, maxval=kf)
    return {"x": x, "emb": emb, "W_ih": W_ih, "W_hh": W_hh, "b_ih": b_ih, "b_hh": b_hh, "W_fc": W_fc, "b_fc": b_fc}

def _lstm_forward(h_initial, W_ih, W_hh, b_ih, b_hh):
    Bn = h_initial.shape[0]
    H = W_hh.shape[1]
    def step(carry, xt):
        h, c = carry
        gates = xt @ W_ih.T + b_ih + h @ W_hh.T + b_hh
        i, f, g, o = jnp.split(gates, 4, axis=-1)
        i = jax.nn.sigmoid(i)
        f = jax.nn.sigmoid(f)
        g = jnp.tanh(g)
        o = jax.nn.sigmoid(o)
        c_new = f * c + i * g
        h_new = o * jnp.tanh(c_new)
        return (h_new, c_new), h_new
    xs = jnp.swapaxes(h_initial, 0, 1)  # [S, B, E]
    init = (jnp.zeros((Bn, H), dtype=h_initial.dtype), jnp.zeros((Bn, H), dtype=h_initial.dtype))
    (_, _), hs = jax.lax.scan(step, init, xs)
    return jnp.swapaxes(hs, 0, 1)  # [B, S, H]

def reference(x, emb, W_ih, W_hh, b_ih, b_hh, W_fc, b_fc):
    h_initial = jnp.take(emb, x, axis=0)  # embedding gather [B, S, E]
    h_final = _lstm_forward(h_initial, W_ih, W_hh, b_ih, b_hh)
    y = h_final[:, -1, :] @ W_fc.T + b_fc
    return y

if __name__ == "__main__":
    import jax
    _d = setup_inputs()
    print(jax.jit(kernel)(*tuple(_d.values())))

</pallas_src>

<mosaic_0001>
#map = affine_map<(d0, d1) -> (0, 0)>
module attributes {stable_mosaic.version = 14 : i64} {
  func.func @relayout_kernel(%arg0: i32, %arg1: i32, %arg2: memref<64x1000000xf32, #tpu.memory_space<hbm>>, %arg3: memref<32x128xf32, #tpu.memory_space<hbm>>, %arg4: memref<500000x128xf32, #tpu.memory_space<hbm>>, %arg5: memref<64x512xf32, #tpu.memory_space<vmem>>, %arg6: memref<256x128xf32, #tpu.memory_space<vmem>>, %arg7: memref<32x128xf32, #tpu.memory_space<vmem>>, %arg8: memref<!tpu.dma_semaphore, #tpu.memory_space<semaphore_mem>>) attributes {dimension_semantics = [#tpu.dimension_semantics<core_parallel>, #tpu.dimension_semantics<subcore_parallel>], iteration_bounds = array<i64: 2, 16>, scalar_prefetch = 0 : i64, scratch_operands = 4 : i64, tpu.core_type = #tpu.core_type<sc_vector_subcore>, window_params = [{transform_indices = #map}, {transform_indices = #map}, {transform_indices = #map}]} {
    %mul3A = arith.constant 2 : i32
    %mul3A_0 = arith.muli %arg1, %mul3A : i32
    %add3A = arith.addi %mul3A_0, %arg0 : i32
    %iota3A = tpu.iota {dimensions = array<i32: 0>} : vector<16xi32>
    %eq3A = arith.constant 0 : i32
    %eq3A_1 = arith.cmpi eq, %add3A, %eq3A : i32
    %convert_element_type3A = arith.extui %eq3A_1 : i1 to i32
    %cond3A = arith.constant 0 : i32
    %cond3A_2 = arith.cmpi ne, %convert_element_type3A, %cond3A : i32
    scf.if %cond3A_2 {
      "tpu.region"() ({
        %run_scoped3A = tpu.sem_alloc : memref<!tpu.dma_semaphore, #tpu.memory_space<semaphore_mem>>
        tpu.enqueue_dma source(%arg3 : memref<32x128xf32, #tpu.memory_space<hbm>>) target(%arg7 : memref<32x128xf32, #tpu.memory_space<vmem>>) target_semaphore(%run_scoped3A : memref<!tpu.dma_semaphore, #tpu.memory_space<semaphore_mem>>)
        tpu.wait_dma2 semaphore(%run_scoped3A : memref<!tpu.dma_semaphore, #tpu.memory_space<semaphore_mem>>) src(%arg3 : memref<32x128xf32, #tpu.memory_space<hbm>>) dst(%arg7 : memref<32x128xf32, #tpu.memory_space<vmem>>)
        tpu.yield
      }) : () -> ()
      "tpu.region"() ({
        %run_scoped3A = tpu.sem_alloc : memref<!tpu.dma_semaphore, #tpu.memory_space<semaphore_mem>>
        %dma_start3A = arith.constant 499968 : i32
        %dma_start3A_8 = arith.constant 0 : i32
        %dma_start3A_9 = tpu.memref_slice %arg4[%dma_start3A, %dma_start3A_8] : memref<500000x128xf32, #tpu.memory_space<hbm>> -> memref<32x128xf32, #tpu.memory_space<hbm>>
        %dma_start3A_10 = arith.constant 499968 : i32
        %dma_start3A_11 = arith.constant 0 : i32
        %dma_start3A_12 = tpu.memref_slice %arg4[%dma_start3A_10, %dma_start3A_11] : memref<500000x128xf32, #tpu.memory_space<hbm>> -> memref<32x128xf32, #tpu.memory_space<hbm>>
        tpu.enqueue_dma source(%arg7 : memref<32x128xf32, #tpu.memory_space<vmem>>) target(%dma_start3A_12 : memref<32x128xf32, #tpu.memory_space<hbm>>) target_semaphore(%run_scoped3A : memref<!tpu.dma_semaphore, #tpu.memory_space<semaphore_mem>>)
        %dma_wait3A = arith.constant 499968 : i32
        %dma_wait3A_13 = arith.constant 0 : i32
        %dma_wait3A_14 = tpu.memref_slice %arg4[%dma_wait3A, %dma_wait3A_13] : memref<500000x128xf32, #tpu.memory_space<hbm>> -> memref<32x128xf32, #tpu.memory_space<hbm>>
        %dma_wait3A_15 = arith.constant 499968 : i32
        %dma_wait3A_16 = arith.constant 0 : i32
        %dma_wait3A_17 = tpu.memref_slice %arg4[%dma_wait3A_15, %dma_wait3A_16] : memref<500000x128xf32, #tpu.memory_space<hbm>> -> memref<32x128xf32, #tpu.memory_space<hbm>>
        tpu.wait_dma2 semaphore(%run_scoped3A : memref<!tpu.dma_semaphore, #tpu.memory_space<semaphore_mem>>) src(%arg7 : memref<32x128xf32, #tpu.memory_space<vmem>>) dst(%dma_wait3A_17 : memref<32x128xf32, #tpu.memory_space<hbm>>)
        tpu.yield
      }) : () -> ()
    } else {
    }
    %scan3A = arith.constant 0 : i32
    %scan3A_3 = arith.constant 0 : i32
    %scan3A_4 = arith.constant 62 : i32
    %scan3A_5 = arith.addi %scan3A_3, %scan3A_4 : i32
    %scan3A_6 = arith.constant 1 : i32
    scf.for %scan3A_8 = %scan3A_3 to %scan3A_5 step %scan3A_6  : i32 {
      %mul3A_9 = arith.constant 32 : i32
      %mul3A_10 = arith.muli %scan3A_8, %mul3A_9 : i32
      %add3A_11 = arith.addi %add3A, %mul3A_10 : i32
      %lt3A = arith.constant 1953 : i32
      %lt3A_12 = arith.cmpi slt, %add3A_11, %lt3A : i32
      %convert_element_type3A_13 = arith.extui %lt3A_12 : i1 to i32
      %cond3A_14 = arith.constant 0 : i32
      %cond3A_15 = arith.cmpi ne, %convert_element_type3A_13, %cond3A_14 : i32
      scf.if %cond3A_15 {
        %mul3A_21 = arith.constant 512 : i32
        %mul3A_22 = arith.muli %add3A_11, %mul3A_21 : i32
        "tpu.region"() ({
          %run_scoped3A = tpu.sem_alloc : memref<!tpu.dma_semaphore, #tpu.memory_space<semaphore_mem>>
          %dma_start3A = arith.constant 0 : i32
          %dma_start3A_23 = tpu.memref_slice %arg2[%dma_start3A, %mul3A_22] : memref<64x1000000xf32, #tpu.memory_space<hbm>> -> memref<64x512xf32, #tpu.memory_space<hbm>>
          %dma_start3A_24 = arith.constant 0 : i32
          %dma_start3A_25 = tpu.memref_slice %arg2[%dma_start3A_24, %mul3A_22] : memref<64x1000000xf32, #tpu.memory_space<hbm>> -> memref<64x512xf32, #tpu.memory_space<hbm>>
          tpu.enqueue_dma source(%dma_start3A_25 : memref<64x512xf32, #tpu.memory_space<hbm>>) target(%arg5 : memref<64x512xf32, #tpu.memory_space<vmem>>) target_semaphore(%run_scoped3A : memref<!tpu.dma_semaphore, #tpu.memory_space<semaphore_mem>>)
          %dma_wait3A = arith.constant 0 : i32
          %dma_wait3A_26 = tpu.memref_slice %arg2[%dma_wait3A, %mul3A_22] : memref<64x1000000xf32, #tpu.memory_space<hbm>> -> memref<64x512xf32, #tpu.memory_space<hbm>>
          %dma_wait3A_27 = arith.constant 0 : i32
          %dma_wait3A_28 = tpu.memref_slice %arg2[%dma_wait3A_27, %mul3A_22] : memref<64x1000000xf32, #tpu.memory_space<hbm>> -> memref<64x512xf32, #tpu.memory_space<hbm>>
          tpu.wait_dma2 semaphore(%run_scoped3A : memref<!tpu.dma_semaphore, #tpu.memory_space<semaphore_mem>>) src(%dma_wait3A_28 : memref<64x512xf32, #tpu.memory_space<hbm>>) dst(%arg5 : memref<64x512xf32, #tpu.memory_space<vmem>>)
          tpu.yield
        }) : () -> ()
      } else {
      }
      %barrier3A = arith.constant 0 : index
      tpu.barrier barrier_id(%barrier3A)
      %lt3A_16 = arith.constant 1953 : i32
      %lt3A_17 = arith.cmpi slt, %add3A_11, %lt3A_16 : i32
      %convert_element_type3A_18 = arith.extui %lt3A_17 : i1 to i32
      %cond3A_19 = arith.constant 0 : i32
      %cond3A_20 = arith.cmpi ne, %convert_element_type3A_18, %cond3A_19 : i32
      scf.if %cond3A_20 {
        %mul3A_21 = arith.constant 256 : i32
        %mul3A_22 = arith.muli %add3A_11, %mul3A_21 : i32
        "tpu.region"() ({
          %run_scoped3A = tpu.sem_alloc : memref<!tpu.dma_semaphore, #tpu.memory_space<semaphore_mem>>
          %dma_start3A = arith.constant 0 : i32
          %dma_start3A_23 = tpu.memref_slice %arg4[%mul3A_22, %dma_start3A] : memref<500000x128xf32, #tpu.memory_space<hbm>> -> memref<256x128xf32, #tpu.memory_space<hbm>>
          %dma_start3A_24 = arith.constant 0 : i32
          %dma_start3A_25 = tpu.memref_slice %arg4[%mul3A_22, %dma_start3A_24] : memref<500000x128xf32, #tpu.memory_space<hbm>> -> memref<256x128xf32, #tpu.memory_space<hbm>>
          tpu.enqueue_dma source(%arg6 : memref<256x128xf32, #tpu.memory_space<vmem>>) target(%dma_start3A_25 : memref<256x128xf32, #tpu.memory_space<hbm>>) target_semaphore(%run_scoped3A : memref<!tpu.dma_semaphore, #tpu.memory_space<semaphore_mem>>)
          %dma_wait3A = arith.constant 0 : i32
          %dma_wait3A_26 = tpu.memref_slice %arg4[%mul3A_22, %dma_wait3A] : memref<500000x128xf32, #tpu.memory_space<hbm>> -> memref<256x128xf32, #tpu.memory_space<hbm>>
          %dma_wait3A_27 = arith.constant 0 : i32
          %dma_wait3A_28 = tpu.memref_slice %arg4[%mul3A_22, %dma_wait3A_27] : memref<500000x128xf32, #tpu.memory_space<hbm>> -> memref<256x128xf32, #tpu.memory_space<hbm>>
          tpu.wait_dma2 semaphore(%run_scoped3A : memref<!tpu.dma_semaphore, #tpu.memory_space<semaphore_mem>>) src(%arg6 : memref<256x128xf32, #tpu.memory_space<vmem>>) dst(%dma_wait3A_28 : memref<256x128xf32, #tpu.memory_space<hbm>>)
          tpu.yield
        }) : () -> ()
      } else {
      }
    }
    %scan3A_7 = arith.constant 62 : i32
    return
  }
}

#map = affine_map<(d0, d1) -> (0, 0)>
#map1 = affine_map<(d0, d1) -> (0, 0, 0)>
module attributes {stable_mosaic.version = 14 : i64} {
  func.func @gather_kernel(%arg0: i32, %arg1: i32, %arg2: memref<500000x128xf32, #tpu.memory_space<hbm>>, %arg3: memref<32x20x80xi32, #tpu.memory_space<hbm>>, %arg4: memref<32x20x80xi32, #tpu.memory_space<hbm>>, %arg5: memref<51200x64xf32, #tpu.memory_space<hbm>>, %arg6: memref<20x80xi32, #tpu.memory_space<vmem>>, %arg7: memref<20x80xi32, #tpu.memory_space<vmem>>, %arg8: memref<80x128xf32, #tpu.memory_space<vmem>>, %arg9: memref<80x128xf32, #tpu.memory_space<vmem>>, %arg10: memref<80x64xf32, #tpu.memory_space<vmem>>, %arg11: memref<!tpu.dma_semaphore, #tpu.memory_space<semaphore_mem>>, %arg12: memref<!tpu.dma_semaphore, #tpu.memory_space<semaphore_mem>>) attributes {dimension_semantics = [#tpu.dimension_semantics<core_parallel>, #tpu.dimension_semantics<subcore_parallel>], iteration_bounds = array<i64: 2, 16>, scalar_prefetch = 0 : i64, scratch_operands = 7 : i64, tpu.core_type = #tpu.core_type<sc_vector_subcore>, window_params = [{transform_indices = #map}, {transform_indices = #map1}, {transform_indices = #map1}, {transform_indices = #map}]} {
    %mul3A = arith.constant 2 : i32
    %mul3A_0 = arith.muli %arg1, %mul3A : i32
    %add3A = arith.addi %mul3A_0, %arg0 : i32
    %mul3A_1 = arith.constant 1600 : i32
    %mul3A_2 = arith.muli %add3A, %mul3A_1 : i32
    "tpu.region"() ({
      %run_scoped3A = tpu.sem_alloc : memref<!tpu.dma_semaphore, #tpu.memory_space<semaphore_mem>>
      %dma_start3A = arith.constant 0 : i32
      %dma_start3A_8 = arith.constant 0 : i32
      %dma_start3A_9 = tpu.memref_slice %arg3[%add3A, %dma_start3A, %dma_start3A_8] : memref<32x20x80xi32, #tpu.memory_space<hbm>> -> memref<1x20x80xi32, #tpu.memory_space<hbm>>
      %dma_start3A_10 = tpu.memref_squeeze %dma_start3A_9 : memref<1x20x80xi32, #tpu.memory_space<hbm>> -> memref<20x80xi32, #tpu.memory_space<hbm>>
      %dma_start3A_11 = arith.constant 0 : i32
      %dma_start3A_12 = arith.constant 0 : i32
      %dma_start3A_13 = tpu.memref_slice %arg3[%add3A, %dma_start3A_11, %dma_start3A_12] : memref<32x20x80xi32, #tpu.memory_space<hbm>> -> memref<1x20x80xi32, #tpu.memory_space<hbm>>
      %dma_start3A_14 = tpu.memref_squeeze %dma_start3A_13 : memref<1x20x80xi32, #tpu.memory_space<hbm>> -> memref<20x80xi32, #tpu.memory_space<hbm>>
      tpu.enqueue_dma source(%dma_start3A_14 : memref<20x80xi32, #tpu.memory_space<hbm>>) target(%arg6 : memref<20x80xi32, #tpu.memory_space<vmem>>) target_semaphore(%run_scoped3A : memref<!tpu.dma_semaphore, #tpu.memory_space<semaphore_mem>>)
      %dma_wait3A = arith.constant 0 : i32
      %dma_wait3A_15 = arith.constant 0 : i32
      %dma_wait3A_16 = tpu.memref_slice %arg3[%add3A, %dma_wait3A, %dma_wait3A_15] : memref<32x20x80xi32, #tpu.memory_space<hbm>> -> memref<1x20x80xi32, #tpu.memory_space<hbm>>
      %dma_wait3A_17 = tpu.memref_squeeze %dma_wait3A_16 : memref<1x20x80xi32, #tpu.memory_space<hbm>> -> memref<20x80xi32, #tpu.memory_space<hbm>>
      %dma_wait3A_18 = arith.constant 0 : i32
      %dma_wait3A_19 = arith.constant 0 : i32
      %dma_wait3A_20 = tpu.memref_slice %arg3[%add3A, %dma_wait3A_18, %dma_wait3A_19] : memref<32x20x80xi32, #tpu.memory_space<hbm>> -> memref<1x20x80xi32, #tpu.memory_space<hbm>>
      %dma_wait3A_21 = tpu.memref_squeeze %dma_wait3A_20 : memref<1x20x80xi32, #tpu.memory_space<hbm>> -> memref<20x80xi32, #tpu.memory_space<hbm>>
      tpu.wait_dma2 semaphore(%run_scoped3A : memref<!tpu.dma_semaphore, #tpu.memory_space<semaphore_mem>>) src(%dma_wait3A_21 : memref<20x80xi32, #tpu.memory_space<hbm>>) dst(%arg6 : memref<20x80xi32, #tpu.memory_space<vmem>>)
      tpu.yield
    }) : () -> ()
    "tpu.region"() ({
      %run_scoped3A = tpu.sem_alloc : memref<!tpu.dma_semaphore, #tpu.memory_space<semaphore_mem>>
      %dma_start3A = arith.constant 0 : i32
      %dma_start3A_8 = arith.constant 0 : i32
      %dma_start3A_9 = tpu.memref_slice %arg4[%add3A, %dma_start3A, %dma_start3A_8] : memref<32x20x80xi32, #tpu.memory_space<hbm>> -> memref<1x20x80xi32, #tpu.memory_space<hbm>>
      %dma_start3A_10 = tpu.memref_squeeze %dma_start3A_9 : memref<1x20x80xi32, #tpu.memory_space<hbm>> -> memref<20x80xi32, #tpu.memory_space<hbm>>
      %dma_start3A_11 = arith.constant 0 : i32
      %dma_start3A_12 = arith.constant 0 : i32
      %dma_start3A_13 = tpu.memref_slice %arg4[%add3A, %dma_start3A_11, %dma_start3A_12] : memref<32x20x80xi32, #tpu.memory_space<hbm>> -> memref<1x20x80xi32, #tpu.memory_space<hbm>>
      %dma_start3A_14 = tpu.memref_squeeze %dma_start3A_13 : memref<1x20x80xi32, #tpu.memory_space<hbm>> -> memref<20x80xi32, #tpu.memory_space<hbm>>
      tpu.enqueue_dma source(%dma_start3A_14 : memref<20x80xi32, #tpu.memory_space<hbm>>) target(%arg7 : memref<20x80xi32, #tpu.memory_space<vmem>>) target_semaphore(%run_scoped3A : memref<!tpu.dma_semaphore, #tpu.memory_space<semaphore_mem>>)
      %dma_wait3A = arith.constant 0 : i32
      %dma_wait3A_15 = arith.constant 0 : i32
      %dma_wait3A_16 = tpu.memref_slice %arg4[%add3A, %dma_wait3A, %dma_wait3A_15] : memref<32x20x80xi32, #tpu.memory_space<hbm>> -> memref<1x20x80xi32, #tpu.memory_space<hbm>>
      %dma_wait3A_17 = tpu.memref_squeeze %dma_wait3A_16 : memref<1x20x80xi32, #tpu.memory_space<hbm>> -> memref<20x80xi32, #tpu.memory_space<hbm>>
      %dma_wait3A_18 = arith.constant 0 : i32
      %dma_wait3A_19 = arith.constant 0 : i32
      %dma_wait3A_20 = tpu.memref_slice %arg4[%add3A, %dma_wait3A_18, %dma_wait3A_19] : memref<32x20x80xi32, #tpu.memory_space<hbm>> -> memref<1x20x80xi32, #tpu.memory_space<hbm>>
      %dma_wait3A_21 = tpu.memref_squeeze %dma_wait3A_20 : memref<1x20x80xi32, #tpu.memory_space<hbm>> -> memref<20x80xi32, #tpu.memory_space<hbm>>
      tpu.wait_dma2 semaphore(%run_scoped3A : memref<!tpu.dma_semaphore, #tpu.memory_space<semaphore_mem>>) src(%dma_wait3A_21 : memref<20x80xi32, #tpu.memory_space<hbm>>) dst(%arg7 : memref<20x80xi32, #tpu.memory_space<vmem>>)
      tpu.yield
    }) : () -> ()
    %iota3A = tpu.iota {dimensions = array<i32: 0>} : vector<16xi32>
    %scan3A = arith.constant 0 : i32
    %scan3A_3 = arith.constant 0 : i32
    %scan3A_4 = arith.constant 10 : i32
    %scan3A_5 = arith.addi %scan3A_3, %scan3A_4 : i32
    %scan3A_6 = arith.constant 1 : i32
    scf.for %scan3A_8 = %scan3A_3 to %scan3A_5 step %scan3A_6  : i32 {
      %mul3A_9 = arith.constant 2 : i32
      %mul3A_10 = arith.muli %mul3A_9, %scan3A_8 : i32
      %dma_start3A = arith.constant 0 : i32
      %dma_start3A_11 = tpu.memref_slice %arg6[%mul3A_10, %dma_start3A] : memref<20x80xi32, #tpu.memory_space<vmem>> -> memref<1x80xi32, #tpu.memory_space<vmem>>
      %dma_start3A_12 = tpu.memref_squeeze %dma_start3A_11 : memref<1x80xi32, #tpu.memory_space<vmem>> -> memref<80xi32, #tpu.memory_space<vmem>>
      %dma_start3A_13 = arith.constant 0 : i32
      %dma_start3A_14 = arith.constant 0 : i32
      %dma_start3A_15 = tpu.memref_slice %arg2[%dma_start3A_13, %dma_start3A_14] : memref<500000x128xf32, #tpu.memory_space<hbm>> -> memref<500000x128xf32, #tpu.memory_space<hbm>>
      tpu.enqueue_indirect_dma source(%dma_start3A_15 : memref<500000x128xf32, #tpu.memory_space<hbm>>) target(%arg8 : memref<80x128xf32, #tpu.memory_space<vmem>>) offsets(%dma_start3A_12 : memref<80xi32, #tpu.memory_space<vmem>>) semaphore(%arg11 : memref<!tpu.dma_semaphore, #tpu.memory_space<semaphore_mem>>)
      %dma_wait3A = arith.constant 0 : i32
      %dma_wait3A_16 = tpu.memref_slice %arg6[%mul3A_10, %dma_wait3A] : memref<20x80xi32, #tpu.memory_space<vmem>> -> memref<1x80xi32, #tpu.memory_space<vmem>>
      %dma_wait3A_17 = tpu.memref_squeeze %dma_wait3A_16 : memref<1x80xi32, #tpu.memory_space<vmem>> -> memref<80xi32, #tpu.memory_space<vmem>>
      %dma_wait3A_18 = arith.constant 0 : i32
      %dma_wait3A_19 = arith.constant 0 : i32
      %dma_wait3A_20 = tpu.memref_slice %arg2[%dma_wait3A_18, %dma_wait3A_19] : memref<500000x128xf32, #tpu.memory_space<hbm>> -> memref<500000x128xf32, #tpu.memory_space<hbm>>
      tpu.wait_indirect_dma semaphore(%arg11 : memref<!tpu.dma_semaphore, #tpu.memory_space<semaphore_mem>>) src(%dma_wait3A_20 : memref<500000x128xf32, #tpu.memory_space<hbm>>) dst(%arg8 : memref<80x128xf32, #tpu.memory_space<vmem>>)
      %barrier3A = arith.constant 0 : index
      tpu.barrier barrier_id(%barrier3A)
      %barrier3A_21 = arith.constant 0 : index
      tpu.barrier barrier_id(%barrier3A_21)
      %mul3A_22 = arith.constant 80 : i32
      %mul3A_23 = arith.muli %mul3A_10, %mul3A_22 : i32
      %add3A_24 = arith.addi %mul3A_2, %mul3A_23 : i32
      "tpu.region"() ({
        %run_scoped3A = tpu.sem_alloc : memref<!tpu.dma_semaphore, #tpu.memory_space<semaphore_mem>>
        %dma_start3A_46 = arith.constant 0 : i32
        %dma_start3A_47 = tpu.memref_slice %arg5[%add3A_24, %dma_start3A_46] : memref<51200x64xf32, #tpu.memory_space<hbm>> -> memref<80x64xf32, #tpu.memory_space<hbm>>
        %dma_start3A_48 = arith.constant 0 : i32
        %dma_start3A_49 = tpu.memref_slice %arg5[%add3A_24, %dma_start3A_48] : memref<51200x64xf32, #tpu.memory_space<hbm>> -> memref<80x64xf32, #tpu.memory_space<hbm>>
        tpu.enqueue_dma source(%arg10 : memref<80x64xf32, #tpu.memory_space<vmem>>) target(%dma_start3A_49 : memref<80x64xf32, #tpu.memory_space<hbm>>) target_semaphore(%run_scoped3A : memref<!tpu.dma_semaphore, #tpu.memory_space<semaphore_mem>>)
        %dma_wait3A_50 = arith.constant 0 : i32
        %dma_wait3A_51 = tpu.memref_slice %arg5[%add3A_24, %dma_wait3A_50] : memref<51200x64xf32, #tpu.memory_space<hbm>> -> memref<80x64xf32, #tpu.memory_space<hbm>>
        %dma_wait3A_52 = arith.constant 0 : i32
        %dma_wait3A_53 = tpu.memref_slice %arg5[%add3A_24, %dma_wait3A_52] : memref<51200x64xf32, #tpu.memory_space<hbm>> -> memref<80x64xf32, #tpu.memory_space<hbm>>
        tpu.wait_dma2 semaphore(%run_scoped3A : memref<!tpu.dma_semaphore, #tpu.memory_space<semaphore_mem>>) src(%arg10 : memref<80x64xf32, #tpu.memory_space<vmem>>) dst(%dma_wait3A_53 : memref<80x64xf32, #tpu.memory_space<hbm>>)
        tpu.yield
      }) : () -> ()
      %mul3A_25 = arith.constant 2 : i32
      %mul3A_26 = arith.muli %mul3A_25, %scan3A_8 : i32
      %add3A_27 = arith.constant 1 : i32
      %add3A_28 = arith.addi %mul3A_26, %add3A_27 : i32
      %dma_start3A_29 = arith.constant 0 : i32
      %dma_start3A_30 = tpu.memref_slice %arg6[%add3A_28, %dma_start3A_29] : memref<20x80xi32, #tpu.memory_space<vmem>> -> memref<1x80xi32, #tpu.memory_space<vmem>>
      %dma_start3A_31 = tpu.memref_squeeze %dma_start3A_30 : memref<1x80xi32, #tpu.memory_space<vmem>> -> memref<80xi32, #tpu.memory_space<vmem>>
      %dma_start3A_32 = arith.constant 0 : i32
      %dma_start3A_33 = arith.constant 0 : i32
      %dma_start3A_34 = tpu.memref_slice %arg2[%dma_start3A_32, %dma_start3A_33] : memref<500000x128xf32, #tpu.memory_space<hbm>> -> memref<500000x128xf32, #tpu.memory_space<hbm>>
      tpu.enqueue_indirect_dma source(%dma_start3A_34 : memref<500000x128xf32, #tpu.memory_space<hbm>>) target(%arg9 : memref<80x128xf32, #tpu.memory_space<vmem>>) offsets(%dma_start3A_31 : memref<80xi32, #tpu.memory_space<vmem>>) semaphore(%arg12 : memref<!tpu.dma_semaphore, #tpu.memory_space<semaphore_mem>>)
      %dma_wait3A_35 = arith.constant 0 : i32
      %dma_wait3A_36 = tpu.memref_slice %arg6[%add3A_28, %dma_wait3A_35] : memref<20x80xi32, #tpu.memory_space<vmem>> -> memref<1x80xi32, #tpu.memory_space<vmem>>
      %dma_wait3A_37 = tpu.memref_squeeze %dma_wait3A_36 : memref<1x80xi32, #tpu.memory_space<vmem>> -> memref<80xi32, #tpu.memory_space<vmem>>
      %dma_wait3A_38 = arith.constant 0 : i32
      %dma_wait3A_39 = arith.constant 0 : i32
      %dma_wait3A_40 = tpu.memref_slice %arg2[%dma_wait3A_38, %dma_wait3A_39] : memref<500000x128xf32, #tpu.memory_space<hbm>> -> memref<500000x128xf32, #tpu.memory_space<hbm>>
      tpu.wait_indirect_dma semaphore(%arg12 : memref<!tpu.dma_semaphore, #tpu.memory_space<semaphore_mem>>) src(%dma_wait3A_40 : memref<500000x128xf32, #tpu.memory_space<hbm>>) dst(%arg9 : memref<80x128xf32, #tpu.memory_space<vmem>>)
      %barrier3A_41 = arith.constant 0 : index
      tpu.barrier barrier_id(%barrier3A_41)
      %barrier3A_42 = arith.constant 0 : index
      tpu.barrier barrier_id(%barrier3A_42)
      %mul3A_43 = arith.constant 80 : i32
      %mul3A_44 = arith.muli %add3A_28, %mul3A_43 : i32
      %add3A_45 = arith.addi %mul3A_2, %mul3A_44 : i32
      "tpu.region"() ({
        %run_scoped3A = tpu.sem_alloc : memref<!tpu.dma_semaphore, #tpu.memory_space<semaphore_mem>>
        %dma_start3A_46 = arith.constant 0 : i32
        %dma_start3A_47 = tpu.memref_slice %arg5[%add3A_45, %dma_start3A_46] : memref<51200x64xf32, #tpu.memory_space<hbm>> -> memref<80x64xf32, #tpu.memory_space<hbm>>
        %dma_start3A_48 = arith.constant 0 : i32
        %dma_start3A_49 = tpu.memref_slice %arg5[%add3A_45, %dma_start3A_48] : memref<51200x64xf32, #tpu.memory_space<hbm>> -> memref<80x64xf32, #tpu.memory_space<hbm>>
        tpu.enqueue_dma source(%arg10 : memref<80x64xf32, #tpu.memory_space<vmem>>) target(%dma_start3A_49 : memref<80x64xf32, #tpu.memory_space<hbm>>) target_semaphore(%run_scoped3A : memref<!tpu.dma_semaphore, #tpu.memory_space<semaphore_mem>>)
        %dma_wait3A_50 = arith.constant 0 : i32
        %dma_wait3A_51 = tpu.memref_slice %arg5[%add3A_45, %dma_wait3A_50] : memref<51200x64xf32, #tpu.memory_space<hbm>> -> memref<80x64xf32, #tpu.memory_space<hbm>>
        %dma_wait3A_52 = arith.constant 0 : i32
        %dma_wait3A_53 = tpu.memref_slice %arg5[%add3A_45, %dma_wait3A_52] : memref<51200x64xf32, #tpu.memory_space<hbm>> -> memref<80x64xf32, #tpu.memory_space<hbm>>
        tpu.wait_dma2 semaphore(%run_scoped3A : memref<!tpu.dma_semaphore, #tpu.memory_space<semaphore_mem>>) src(%arg10 : memref<80x64xf32, #tpu.memory_space<vmem>>) dst(%dma_wait3A_53 : memref<80x64xf32, #tpu.memory_space<hbm>>)
        tpu.yield
      }) : () -> ()
    }
    %scan3A_7 = arith.constant 10 : i32
    return
  }
}

module attributes {stable_mosaic.version = 14 : i64} {
  func.func @_lstm_body(%arg0: memref<50x1024x64xf32, #tpu.memory_space<vmem>>, %arg1: memref<64x256xf32, #tpu.memory_space<vmem>>, %arg2: memref<64x256xf32, #tpu.memory_space<vmem>>, %arg3: memref<1x256xf32, #tpu.memory_space<vmem>>, %arg4: memref<64x10xf32, #tpu.memory_space<vmem>>, %arg5: memref<1x10xf32, #tpu.memory_space<vmem>>, %arg6: memref<1024x10xf32, #tpu.memory_space<vmem>>, %arg7: memref<1024x64xf32, #tpu.memory_space<vmem>>, %arg8: memref<1024x64xf32, #tpu.memory_space<vmem>>) attributes {dimension_semantics = [], scalar_prefetch = 0 : i64, scratch_operands = 2 : i64, tpu.core_type = #tpu.core_type<tc>} {
    %broadcast_in_dim3A = arith.constant 0.000000e+00 : f32
    %broadcast_in_dim3A_0 = vector.broadcast %broadcast_in_dim3A : f32 to vector<1024x64xf32>
    %swap3A = arith.constant 0 : index
    %swap3A_1 = arith.constant 0 : index
    %swap3A_2 = vector.load %arg7[%swap3A, %swap3A_1] : memref<1024x64xf32, #tpu.memory_space<vmem>>, vector<1024x64xf32>
    tpu.vector_store %arg7[%swap3A, %swap3A_1], %broadcast_in_dim3A_0 {strides = array<i32>} : memref<1024x64xf32, #tpu.memory_space<vmem>>, vector<1024x64xf32>,
    %broadcast_in_dim3A_3 = arith.constant 0.000000e+00 : f32
    %broadcast_in_dim3A_4 = vector.broadcast %broadcast_in_dim3A_3 : f32 to vector<1024x64xf32>
    %swap3A_5 = arith.constant 0 : index
    %swap3A_6 = arith.constant 0 : index
    %swap3A_7 = vector.load %arg8[%swap3A_5, %swap3A_6] : memref<1024x64xf32, #tpu.memory_space<vmem>>, vector<1024x64xf32>
    tpu.vector_store %arg8[%swap3A_5, %swap3A_6], %broadcast_in_dim3A_4 {strides = array<i32>} : memref<1024x64xf32, #tpu.memory_space<vmem>>, vector<1024x64xf32>,
    %scan3A = arith.constant 0 : i32
    %scan3A_8 = arith.constant 50 : i32
    %scan3A_9 = arith.addi %scan3A, %scan3A_8 : i32
    %scan3A_10 = arith.constant 1 : i32
    scf.for %scan3A_25 = %scan3A to %scan3A_9 step %scan3A_10  : i32 {
      %get3A_26 = arith.index_cast %scan3A_25 : i32 to index
      %get3A_27 = arith.constant 0 : index
      %get3A_28 = arith.constant 0 : index
      %get3A_29 = vector.load %arg0[%get3A_26, %get3A_27, %get3A_28] : memref<50x1024x64xf32, #tpu.memory_space<vmem>>, vector<1x1024x64xf32>
      %get3A_30 = vector.shape_cast %get3A_29 : vector<1x1024x64xf32> to vector<1024x64xf32>
      %get3A_31 = arith.constant 0 : index
      %get3A_32 = arith.constant 0 : index
      %get3A_33 = vector.load %arg7[%get3A_31, %get3A_32] : memref<1024x64xf32, #tpu.memory_space<vmem>>, vector<1024x64xf32>
      %get3A_34 = arith.constant 0 : index
      %get3A_35 = arith.constant 0 : index
      %get3A_36 = vector.load %arg8[%get3A_34, %get3A_35] : memref<1024x64xf32, #tpu.memory_space<vmem>>, vector<1024x64xf32>
      %get3A_37 = arith.constant 0 : index
      %get3A_38 = arith.constant 0 : index
      %get3A_39 = vector.load %arg1[%get3A_37, %get3A_38] : memref<64x256xf32, #tpu.memory_space<vmem>>, vector<64x256xf32>
      %dot_general3A_40 = arith.constant dense<0.000000e+00> : vector<1024x256xf32>
      %dot_general3A_41 = tpu.matmul %get3A_30, %get3A_39, %dot_general3A_40 {dimension_numbers = #tpu.dot_dimension_numbers<[1], [0], [0], [1], [0, 0, 1, 1], [], []>, transpose_lhs_hint = false} : vector<1024x64xf32>, vector<64x256xf32>, vector<1024x256xf32> -> vector<1024x256xf32>
      %get3A_42 = arith.constant 0 : index
      %get3A_43 = arith.constant 0 : index
      %get3A_44 = vector.load %arg2[%get3A_42, %get3A_43] : memref<64x256xf32, #tpu.memory_space<vmem>>, vector<64x256xf32>
      %dot_general3A_45 = arith.constant dense<0.000000e+00> : vector<1024x256xf32>
      %dot_general3A_46 = tpu.matmul %get3A_33, %get3A_44, %dot_general3A_45 {dimension_numbers = #tpu.dot_dimension_numbers<[1], [0], [0], [1], [0, 0, 1, 1], [], []>, transpose_lhs_hint = false} : vector<1024x64xf32>, vector<64x256xf32>, vector<1024x256xf32> -> vector<1024x256xf32>
      %add3A_47 = arith.addf %dot_general3A_41, %dot_general3A_46 : vector<1024x256xf32>
      %get3A_48 = arith.constant 0 : index
      %get3A_49 = arith.constant 0 : index
      %get3A_50 = vector.load %arg3[%get3A_48, %get3A_49] : memref<1x256xf32, #tpu.memory_space<vmem>>, vector<1x256xf32>
      %add3A_51 = vector.broadcast %get3A_50 : vector<1x256xf32> to vector<1024x256xf32>
      %add3A_52 = arith.addf %add3A_47, %add3A_51 : vector<1024x256xf32>
      %slice3A = vector.extract_strided_slice %add3A_52 {offsets = [0, 0], sizes = [1024, 64], strides = [1, 1]} : vector<1024x256xf32> to vector<1024x64xf32>
      %logistic3A = arith.negf %slice3A : vector<1024x64xf32>
      %logistic3A_53 = math.exp %logistic3A : vector<1024x64xf32>
      %logistic3A_54 = arith.constant 1.000000e+00 : f32
      %logistic3A_55 = vector.broadcast %logistic3A_54 : f32 to vector<1024x64xf32>
      %logistic3A_56 = arith.addf %logistic3A_55, %logistic3A_53 : vector<1024x64xf32>
      %logistic3A_57 = arith.divf %logistic3A_55, %logistic3A_56 : vector<1024x64xf32>
      %slice3A_58 = vector.extract_strided_slice %add3A_52 {offsets = [0, 64], sizes = [1024, 64], strides = [1, 1]} : vector<1024x256xf32> to vector<1024x64xf32>
      %logistic3A_59 = arith.negf %slice3A_58 : vector<1024x64xf32>
      %logistic3A_60 = math.exp %logistic3A_59 : vector<1024x64xf32>
      %logistic3A_61 = arith.constant 1.000000e+00 : f32
      %logistic3A_62 = vector.broadcast %logistic3A_61 : f32 to vector<1024x64xf32>
      %logistic3A_63 = arith.addf %logistic3A_62, %logistic3A_60 : vector<1024x64xf32>
      %logistic3A_64 = arith.divf %logistic3A_62, %logistic3A_63 : vector<1024x64xf32>
      %slice3A_65 = vector.extract_strided_slice %add3A_52 {offsets = [0, 128], sizes = [1024, 64], strides = [1, 1]} : vector<1024x256xf32> to vector<1024x64xf32>
      %tanh3A = math.tanh %slice3A_65 : vector<1024x64xf32>
      %slice3A_66 = vector.extract_strided_slice %add3A_52 {offsets = [0, 192], sizes = [1024, 64], strides = [1, 1]} : vector<1024x256xf32> to vector<1024x64xf32>
      %logistic3A_67 = arith.negf %slice3A_66 : vector<1024x64xf32>
      %logistic3A_68 = math.exp %logistic3A_67 : vector<1024x64xf32>
      %logistic3A_69 = arith.constant 1.000000e+00 : f32
      %logistic3A_70 = vector.broadcast %logistic3A_69 : f32 to vector<1024x64xf32>
      %logistic3A_71 = arith.addf %logistic3A_70, %logistic3A_68 : vector<1024x64xf32>
      %logistic3A_72 = arith.divf %logistic3A_70, %logistic3A_71 : vector<1024x64xf32>
      %mul3A = arith.mulf %logistic3A_64, %get3A_36 : vector<1024x64xf32>
      %mul3A_73 = arith.mulf %logistic3A_57, %tanh3A : vector<1024x64xf32>
      %add3A_74 = arith.addf %mul3A, %mul3A_73 : vector<1024x64xf32>
      %tanh3A_75 = math.tanh %add3A_74 : vector<1024x64xf32>
      %mul3A_76 = arith.mulf %logistic3A_72, %tanh3A_75 : vector<1024x64xf32>
      %swap3A_77 = arith.constant 0 : index
      %swap3A_78 = arith.constant 0 : index
      %swap3A_79 = vector.load %arg7[%swap3A_77, %swap3A_78] : memref<1024x64xf32, #tpu.memory_space<vmem>>, vector<1024x64xf32>
      tpu.vector_store %arg7[%swap3A_77, %swap3A_78], %mul3A_76 {strides = array<i32>} : memref<1024x64xf32, #tpu.memory_space<vmem>>, vector<1024x64xf32>,
      %swap3A_80 = arith.constant 0 : index
      %swap3A_81 = arith.constant 0 : index
      %swap3A_82 = vector.load %arg8[%swap3A_80, %swap3A_81] : memref<1024x64xf32, #tpu.memory_space<vmem>>, vector<1024x64xf32>
      tpu.vector_store %arg8[%swap3A_80, %swap3A_81], %add3A_74 {strides = array<i32>} : memref<1024x64xf32, #tpu.memory_space<vmem>>, vector<1024x64xf32>,
    }
    %scan3A_11 = arith.constant 50 : i32
    %get3A = arith.constant 0 : index
    %get3A_12 = arith.constant 0 : index
    %get3A_13 = vector.load %arg7[%get3A, %get3A_12] : memref<1024x64xf32, #tpu.memory_space<vmem>>, vector<1024x64xf32>
    %get3A_14 = arith.constant 0 : index
    %get3A_15 = arith.constant 0 : index
    %get3A_16 = vector.load %arg4[%get3A_14, %get3A_15] : memref<64x10xf32, #tpu.memory_space<vmem>>, vector<64x10xf32>
    %dot_general3A = arith.constant dense<0.000000e+00> : vector<1024x10xf32>
    %dot_general3A_17 = tpu.matmul %get3A_13, %get3A_16, %dot_general3A {dimension_numbers = #tpu.dot_dimension_numbers<[1], [0], [0], [1], [0, 0, 1, 1], [], []>, transpose_lhs_hint = false} : vector<1024x64xf32>, vector<64x10xf32>, vector<1024x10xf32> -> vector<1024x10xf32>
    %get3A_18 = arith.constant 0 : index
    %get3A_19 = arith.constant 0 : index
    %get3A_20 = vector.load %arg5[%get3A_18, %get3A_19] : memref<1x10xf32, #tpu.memory_space<vmem>>, vector<1x10xf32>
    %add3A = vector.broadcast %get3A_20 : vector<1x10xf32> to vector<1024x10xf32>
    %add3A_21 = arith.addf %dot_general3A_17, %add3A : vector<1024x10xf32>
    %swap3A_22 = arith.constant 0 : index
    %swap3A_23 = arith.constant 0 : index
    %swap3A_24 = vector.load %arg6[%swap3A_22, %swap3A_23] : memref<1024x10xf32, #tpu.memory_space<vmem>>, vector<1024x10xf32>
    tpu.vector_store %arg6[%swap3A_22, %swap3A_23], %add3A_21 {strides = array<i32>} : memref<1024x10xf32, #tpu.memory_space<vmem>>, vector<1024x10xf32>,
    return
  }
}

</mosaic_0001>

<sc_bundles>
// kernel: kernel.5.cloned.1.call-start
scs
__scs_entry_jumppad:
0x0: {  	(pc) =	sbr.rel $0x88, $3  }
0x1: {  	(tag) =	ssettag $0x0;
	lr =	simm.s32 $0x1  }
0x2: {  	[smem:$0x3F99] =	sst lr;
	_ =	strace $0xD0000000  }
0x3: {  	_ = 	snop  }
0x4: {  	_ = 	snop  }
0x5: {  	_ = 	snop  }
0x6: {  	_ = 	snop  }
0x7: {  	_ = 	snop  }
__scs_overlays_trampoline_lowered:
0x8: {  	[smem:$0x3FA8] =	sst s0  }
0x9: {  	[smem:$0x3FA9] =	sst s1  }
0xa: {  	[smem:$0x3FAA] =	sst s2  }
0xb: {  	[smem:$0x3FAB] =	sst s3  }
0xc: {  	[smem:$0x3FAC] =	sst s4  }
0xd: {  	[smem:$0x3FAD] =	sst s5  }
0xe: {  	[smem:$0x3FAE] =	sst s6  }
0xf: {  	[smem:$0x3FAF] =	sst s7  }
0x10: {  	[smem:$0x3FB0] =	sst s8  }
0x11: {  	[smem:$0x3FB1] =	sst s9;
	s0 =	simm.s32 @!p0 $0x0  }
0x12: {  	s1 =	sld [smem:$0x3F97];
	s0 =	simm.s32 @p0 $0x1  }
0x13: {  	[smem:$0x3FB2] =	sst s0;
	s0 =	simm.s32 @!p1 $0x0  }
0x14: {  	s2 =	sld [smem:$0x3F96];
	s0 =	simm.s32 @p1 $0x1  }
0x15: {  	[smem:$0x3FB3] =	sst s0;
	s0 =	simm.s32 @!p2 $0x0  }
0x16: {  	s3 =	sld [smem:$0x3FDB];
	s0 =	simm.s32 @p2 $0x1  }
0x17: {  	s4 =	simm.s32 $0x1BF5;
	[smem:$0x3FB5] =	sst s0  }
0x18: {  	s0 =	sld [smem:$0x3F98];
	_ =	swait.ge [sflag:s4], $0x0  }
0x19: {  	s7 =	sld [smem:$0x3F99]  }
0x1a: {  	s8 =	sadd.s32 $0xFFFFE003, lr  }
0x1b: {  	s9 =	sadd.s32 $0xFFFFFEF7, lr;
	s5 =	simm.s32 $0xFFFFFFFF;
	p2 =	slt.u32 s8, $0xFFFFF086  }
0x1c: {  	p1 =	slt.u32 s9, $0xF7A;
	s5 =	simm.s32 @!p2 $0x0  }
0x1d: {  	s5 =	simm.s32 @p1 $0x1;
	p0 =	seq.s32 s7, s2  }
0x1e: {  	s7 =	smul.u32 @!p0 $0xF7A, s2;
	p2 =	seq.s32 @!p0 s5, $0x0  }
0x1f: {  	s9 =	smul.u32 $0xF7A, s1;
	s8 =	simm.s32 @!p0 $0x1BF5;
	p2 =	por !p2, p0  }
0x20: {  	[sflag:s8] =	ssyncset.s32 @!p0 $0xFFFFF086;
	s6 =	sadd.s32 @!p0 s3, s7;
	s7 =	simm.s32 @!p0 $0x108  }
0x21: {  	s3 =	sadd.s32 s3, s9;
	s6 =	sadd.s32 @!p0 $0x88, s6;
	s7 =	simm.s32 @p2 $0x1082  }
0x22: {  	[simem:s7], [sflag:s8] =	dma.local @!p0 [hbm:s6], $0xF7A  }
0x23: {  	s9 =	sor.u32 $0xD0000000, s2;
	s6 =	simm.s32 $0x108;
	_ =	swait.ge @!p0 [sflag:s8], $0x0  }
0x24: {  	s3 =	sadd.s32 $0x88, s3;
	s6 =	simm.s32 @!p1 $0x1082;
	[sflag:s4] =	ssyncset.s32 $0xFFFFF086  }
0x25: {  	[simem:s6], [sflag:s4] =	dma.local [hbm:s3], $0xF7A  }
0x26: {  	[smem:$0x3F99] =	sst s1;
	(tag) =	ssettag s2;
	_ =	strace s9  }
0x27: {  	s1 =	sld [smem:$0x3FA9]  }
0x28: {  	s2 =	sld [smem:$0x3FAA]  }
0x29: {  	s4 =	sld [smem:$0x3FAC]  }
0x2a: {  	p0 =	seq.s32 s5, $0x0;
	s5 =	sld [smem:$0x3FAD]  }
0x2b: {  	s6 =	sld [smem:$0x3FAE]  }
0x2c: {  	s7 =	sld [smem:$0x3FAF]  }
0x2d: {  	s3 =	simm.s32 $0x108;
	s8 =	sld [smem:$0x3FB0]  }
0x2e: {  	s3 =	simm.s32 @!p0 $0x1082;
	s9 =	sld [smem:$0x3FB1]  }
0x2f: {  	lr =	sadd.s32 s0, s3;
	s0 =	sld [smem:$0x3FA8]  }
0x30: {  	s3 =	sld [smem:$0x3FAB]  }
0x31: {  	[smem:$0x3FB4] =	sst s10  }
0x32: {  	s10 =	sld [smem:$0x3FB2];
	_ =	sdelay $0x3  }
0x33: {  	p0 =	seq.s32 s10, $0x1;
	s10 =	sld [smem:$0x3FB4];
	_ =	sdelay $0x3  }
0x34: {  	[smem:$0x3FB4] =	sst s10  }
0x35: {  	s10 =	sld [smem:$0x3FB3];
	_ =	sdelay $0x3  }
0x36: {  	p1 =	seq.s32 s10, $0x1;
	s10 =	sld [smem:$0x3FB4];
	_ =	sdelay $0x3  }
0x37: {  	[smem:$0x3FB4] =	sst s10  }
0x38: {  	s10 =	sld [smem:$0x3FB5]  }
0x39: {  	_ = 	snop;
	(pc) =	sbr.ind lr, $3  }
0x3a: {  	_ = 	snop  }
0x3b: {  	_ = 	snop  }
0x3c: {  	p2 =	seq.s32 s10, $0x1;
	s10 =	sld [smem:$0x3FB4]  }
0x3d: {  	_ =	shalt  }
0x3e: {  	_ =	shalt  }
0x3f: {  	_ =	shalt  }
0x40: {  	_ =	shalt  }
0x41: {  	_ =	shalt  }
0x42: {  	_ =	shalt  }
0x43: {  	_ =	shalt  }
0x44: {  	_ =	shalt  }
0x45: {  	_ =	shalt  }
0x46: {  	_ =	shalt  }
0x47: {  	_ =	shalt  }
0x48: {  	_ =	shalt  }
0x49: {  	_ =	shalt  }
0x4a: {  	_ =	shalt  }
0x4b: {  	_ =	shalt  }
0x4c: {  	_ =	shalt  }
0x4d: {  	_ =	shalt  }
0x4e: {  	_ =	shalt  }
0x4f: {  	_ =	shalt  }
0x50: {  	_ =	shalt  }
0x51: {  	_ =	shalt  }
0x52: {  	_ =	shalt  }
0x53: {  	_ =	shalt  }
0x54: {  	_ =	shalt  }
0x55: {  	_ =	shalt  }
0x56: {  	_ =	shalt  }
0x57: {  	_ =	shalt  }
0x58: {  	_ =	shalt  }
0x59: {  	_ =	shalt  }
0x5a: {  	_ =	shalt  }
0x5b: {  	_ =	shalt  }
0x5c: {  	_ =	shalt  }
0x5d: {  	_ =	shalt  }
0x5e: {  	_ =	shalt  }
0x5f: {  	_ =	shalt  }
0x60: {  	_ =	shalt  }
0x61: {  	_ =	shalt  }
0x62: {  	_ =	shalt  }
0x63: {  	_ =	shalt  }
0x64: {  	_ =	shalt  }
0x65: {  	_ =	shalt  }
0x66: {  	_ =	shalt  }
0x67: {  	_ =	shalt  }
0x68: {  	_ =	shalt  }
0x69: {  	_ =	shalt  }
0x6a: {  	_ =	shalt  }
0x6b: {  	_ =	shalt  }
0x6c: {  	_ =	shalt  }
0x6d: {  	_ =	shalt  }
0x6e: {  	_ =	shalt  }
0x6f: {  	_ =	shalt  }
0x70: {  	_ =	shalt  }
0x71: {  	_ =	shalt  }
0x72: {  	_ =	shalt  }
0x73: {  	_ =	shalt  }
0x74: {  	_ =	shalt  }
0x75: {  	_ =	shalt  }
0x76: {  	_ =	shalt  }
0x77: {  	_ =	shalt  }
0x78: {  	_ =	shalt  }
0x79: {  	_ =	shalt  }
0x7a: {  	_ =	shalt  }
0x7b: {  	_ =	shalt  }
0x7c: {  	_ =	shalt  }
0x7d: {  	_ =	shalt  }
0x7e: {  	_ =	shalt  }
0x7f: {  	_ =	shalt  }
0x80: {  	_ =	shalt  }
0x81: {  	_ =	shalt  }
0x82: {  	_ =	shalt  }
0x83: {  	_ =	shalt  }
0x84: {  	_ =	shalt  }
0x85: {  	_ =	shalt  }
0x86: {  	_ =	shalt  }
0x87: {  	_ =	shalt  }
.Lfunc_end0:
.L_simem_size_0:
called_computation_lowered:
.L_overlay_start_0:
0x88: {  	s2 =	sld [smem:$0x3FD9]  }
0x89: {  	s3 =	sld [smem:$0x3FFE];
	_ =	sdelay $0x1  }
0x8a: {  	s1 =	srdreg.scid  }
0x8b: {  	s0 =	sand.u32 $0x1, s1  }
0x8c: {  	s17 =	sshll.u32 s0, $0xA;
	s2 =	sadd.s32 s3, s2  }
0x8d: {  	s2 =	sadd.s32 s2, s17  }
0x8e: {  	[smem:$0x3FC0] =	sst s2  }
0x8f: {  	_ = 	snop  }
0x90: {  	s2 =	sld [smem:$0x3FC8]  }
0x91: {  	s18 =	sld [smem:$0x3FD0];
	(tm) =	ssettm $0x1  }
0x92: {  	s4 =	sld [smem:$0x3FFB];
	_ =	sdelay $0x3  }
0x93: {  	_ =	strace s4  }
0x94: {  	s4 =	sld [smem:$0x3FFC];
	_ =	sdelay $0x3  }
0x95: {  	_ =	strace s4  }
0x96: {  	s4 =	sld [smem:$0x3FFD];
	_ =	sdelay $0x3  }
0x97: {  	_ =	strace s4  }
0x98: {  	_ =	strace $0x8FFFFFFF  }
0x99: {  	s19 =	sld [smem:$0x3FDB];
	_ =	sdelay $0x1  }
0x9a: {  	s5 =	simm.s32 $_scs_section_size  }
0x9b: {  	s6 =	simm.s32 $_size__tile_overlayer_lowered;
	s7 =	simm.s32 $_tile_overlayer_lowered  }
0x9c: {  	s22 =	simm.s32 $0x1BFF;
	s21 =	sshll.u32 s7, $0x1;
	s4 =	sadd.s32 s5, s19  }
0x9d: {  	s8 =	simm.s32 $0x0;
	s20 =	sshll.u32 s6, $0x1;
	s6 =	sadd.s32 s21, s4  }
0x9e: {  	[timem:s8], [sflag:s22] =	dma.local [hbm:s6], s20  }
0x9f: {  	_ =	swait.ge [sflag:s22], s20  }
0xa0: {  	s5 =	ssub.s32 $0x0, s20;
	[sflag:s22] =	ssyncset.done $0x0  }
0xa1: {  	[sflag:s22] =	ssyncadd.s32 s5;
	_ =	sdelay $0x1  }
0xa2: {  	s23 =	simm.s32 $0x1B8B  }
0xa3: {  	_ =	swait.ge [sflag:s23], $0x1  }
0xa4: {  	[sflag:s23] =	ssyncset.done $0x0  }
0xa5: {  	s25 =	simm.s32 $0x1B8E;
	s24 =	sld [smem:$0x3FFE];
	[sflag:s23] =	ssyncadd.s32 $0xFFFFFFFF  }
0xa6: {  	s26 =	simm.s32 $execute0_lowered;
	[smem:$0x3FD2] =	sst s25  }
0xa7: {  	s6 =	sshll.u32 s26, $0x1;
	_ =	strace $0x80000046;
	[dreg:$0x1] =	wrdreg $0xFFFFFFFF  }
0xa8: {  	s28 =	simm.s32 $_size_execute0_lowered;
	s4 =	sadd.s32 s4, s6;
	[dreg:$0x0] =	wrdreg $0x0  }
0xa9: {  	s6 =	sshll.u32 s28, $0x1;
	[dreg:$0x2] =	wrdreg s4  }
0xaa: {  	[dreg:$0x3] =	wrdreg s6  }
0xab: {  	[dreg:$0x4] =	wrdreg $0xC0  }
0xac: {  	_ =	task [dreg:s8], $0x5FFFF  }
0xad: {  	[dreg:$0x1] =	wrdreg $0xFFFFFFFF  }
0xae: {  	[dreg:$0x0] =	wrdreg $0x60  }
0xaf: {  	[dreg:$0x2] =	wrdreg s2  }
0xb0: {  	[dreg:$0x3] =	wrdreg s18  }
0xb1: {  	[dreg:$0x4] =	wrdreg s24  }
0xb2: {  	[dreg:$0x5] =	wrdreg $0x9  }
0xb3: {  	_ =	task.clear_ibuf [dreg:s8], $0x6FFFF;
	_ =	strace $0x90000046  }
0xb4: {  	s29 =	simm.s32 $0x9;
	_ =	strace $0x80000048  }
0xb5: {  	_ =	swait.ge [sflag:s29], $0x1  }
0xb6: {  	[sflag:s29] =	ssyncadd.s32 $0xFFFFFFFF  }
0xb7: {  	_ =	strace $0x90000048  }
0xb8: {  	_ =	sfence  }
0xb9: {  	s30 =	sld [smem:$0x0];
	_ =	sdelay $0x2  }
0xba: {  	s31 =	sshll.u32 s1, $0xD;
	s1 =	sshrl.u32 s1, $0x2  }
0xbb: {  	s3 =	sand.u32 $0x4000, s31;
	s1 =	sadd.s32 s1, s30  }
0xbc: {  	s0 =	sor.u32 s3, s0;
	s1 =	sshll.u32 s1, $0x11  }
0xbd: {  	s0 =	sor.u32 s1, s0  }
0xbe: {  	s0 =	sadd.s32 $0x8F2B, s0  }
0xbf: {  	[sflag:s0] =	ssyncadd.remote.s32 $0x1  }
0xc0: {  	_ =	sfence.sel $0xFFFF  }
0xc1: {  	[dreg:$0x0] =	wrdreg $0xFFFFFFFF;
	(pc) =	sbr.abs _section_cstart, $3  }
0xc2: {  	[dreg:$0x1] =	wrdreg $0xFFFFFFFF  }
0xc3: {  	_ =	task.clear_ibuf [dreg:s8], $0x2FFFF;
	_ =	strace $0x9FFFFFFF  }
0xc4: {  	(tm) =	ssettm $0x7FFFFFFF  }
0xc5: {  	_ =	shalt  }
tec
execute0_lowered:
.L_overlay_start_1:
0x0: {  	(tag) =	ssettag $0x1  }
0x1: {  	s6 =	rddreg [dreg:$0x0]  }
0x2: {  	s1 =	rddreg [dreg:$0x1]  }
0x3: {  	s5 =	rddreg [dreg:$0x2]  }
0x4: {  	s0 =	rddreg [dreg:$0x3];
	s3 =	simm.s32 $0x0;
	s4 =	srdreg.scid  }
0x5: {  	s2 =	stileid.u32;
	[smem:$0x7FF] =	sst s3;
	s7 =	sand.u32 $0x1, s4  }
0x6: {  	s28 =	sshll.u32 s2, $0xD;
	s10 =	sshll.u32 s2, $0x1;
	s30 =	sshll.u32 s2, $0xA  }
0x7: {  	_ =	strace $0x80000047;
	s8 =	ssub.s32 $0x2, s7;
	s9 =	sadd.s32 s28, s5  }
0x8: {  	s4 =	sor.u32 s7, s10;
	s5 =	sadd.s32 $0x7A2800, s5;
	s10 =	sadd.s32 s30, s6  }
0x9: {  	s11 =	sshll.u32 s7, $0xC;
	s7 =	sshll.u32 s7, $0x9;
	s29 =	sshrl.u32 s8, $0x1  }
0xa: {  	s31 =	sadd.s32 s11, s9;
	s7 =	sadd.s32 s7, s10;
	s8 =	ssub.s32 s8, s29  }
0xb: {  	p0 =	sne.s32 s4, $0x0;
	s6 =	smax.u32 s8, $0x1;
	s8 =	sadd.s32 $0x1800, s31  }
.LBB2_1:
0xc: {  	s9 =	simm.s32 @!p0 $0x0;
	s10 =	simm.s32 @!p0 $0x10000;
	s11 =	simm.s32 @!p0 $0x1  }
0xd: {  	[tilespmem:s10], [sflag:$0x1] =	stream.linear.gather @!p0 [hbm4b:s1+s9], $0x1000, $0x38;
	[tilespmem:$0x11000] =	vst v63  }
0xe: {  	_ =	swait.ge @!p0 [sflag:s11], $0x1000  }
0xf: {  	[sflag:s11] =	ssyncset.done @!p0 $0x0  }
0x10: {  	[sflag:s11] =	ssyncadd.s32 @!p0 $0xFFFFF000  }
0x11: {  	[hbm4b:s5+s9] =	stream.linear.scatter @!p0 [tilespmem:s10], [sflag:$0x1], $0x1000, $0x38;
	[tilespmem:$0x11000] =	vst v63  }
0x12: {  	s31 =	sadd.s32 $0x0, s4;
	_ =	swait.ge @!p0 [sflag:s11], $0x1000  }
0x13: {  	p1 =	sgt.u32 s31, $0x7A0;
	[sflag:s11] =	ssyncset.done @!p0 $0x0  }
0x14: {  	s12 =	simm.s32 @!p1 $0x2;
	s9 =	simm.s32 @!p1 $0x1000;
	[sflag:s11] =	ssyncadd.s32 @!p0 $0xFFFFF000  }
0x15: {  	s10 =	simm.s32 @!p1 $0x7A1400;
	s11 =	simm.s32 @!p1 $0x0;
	[bflag:$0x0] =	sbarrier.arrive @p1 $0xFFFF  }
0x16: {  	[tilespmem:s11], [sflag:$0x2] =	stream.strided.gather @!p1 [hbm4b:s7+s9], $0x8000, s10, s9, $0x38;
	[tilespmem:$0x11000] =	vst v63  }
0x17: {  	_ =	swait.ge @!p1 [sflag:s12], $0x8000;
	p1 =	por p1, p1  }
0x18: {  	[sflag:s12] =	ssyncset.done @!p1 $0x0  }
0x19: {  	s13 =	sadd.s32 $0x20, s4;
	s10 =	sadd.s32 $0x4000, s7;
	[sflag:s12] =	ssyncadd.s32 @!p1 $0xFFFF8000  }
0x1a: {  	s9 =	simm.s32 @!p1 $0x8000;
	s12 =	simm.s32 @!p1 $0x1;
	[bflag:$0x0] =	sbarrier.arrive @!p1 $0xFFFF  }
0x1b: {  	[hbm4b:s8+s11] =	stream.linear.scatter @!p1 [tilespmem:s9], [sflag:$0x1], $0x8000, $0x38;
	[tilespmem:$0x11000] =	vst v63  }
0x1c: {  	s11 =	simm.s32 $0x40;
	s9 =	sadd.s32 $0x20000, s8;
	_ =	swait.ge @!p1 [sflag:s12], $0x8000  }
.LBB2_2:
0x1d: {  	p2 =	sgt.u32 s13, $0x7A0;
	[sflag:s12] =	ssyncset.done @!p1 $0x0  }
0x1e: {  	s13 =	smov.u32 s11;
	s11 =	sadd.s32 $0x20, s11;
	s14 =	smov.u32 s9  }
0x1f: {  	s15 =	simm.s32 @!p2 $0x1000;
	s16 =	simm.s32 @!p2 $0x7A1400;
	[sflag:s12] =	ssyncadd.s32 @!p1 $0xFFFF8000  }
0x20: {  	s17 =	simm.s32 @!p2 $0x0;
	s12 =	simm.s32 @!p2 $0x2;
	[bflag:$0x0] =	sbarrier.arrive @p2 $0xFFFF  }
0x21: {  	[tilespmem:s17], [sflag:$0x2] =	stream.strided.gather @!p2 [hbm4b:s10+s15], $0x8000, s16, s15, $0x38;
	[tilespmem:$0x11000] =	vst v63  }
0x22: {  	p3 =	sne.s32 s11, $0x7C0;
	p1 =	por p2, p2;
	_ =	swait.ge @!p2 [sflag:s12], $0x8000  }
.Ltmp0:
0x23: {  	[sflag:s12] =	ssyncset.done @!p1 $0x0;
	(pc) =	sbr.rel @p3 .LBB2_2-.Ltmp0, $4  }
0x24: {  	s15 =	simm.s32 @!p1 $0x8000;
	[sflag:s12] =	ssyncadd.s32 @!p1 $0xFFFF8000  }
0x25: {  	s9 =	sadd.s32 $0x20000, s9;
	s12 =	simm.s32 @!p1 $0x1;
	[bflag:$0x0] =	sbarrier.arrive @!p1 $0xFFFF  }
0x26: {  	[hbm4b:s14+s17] =	stream.linear.scatter @!p1 [tilespmem:s15], [sflag:$0x1], $0x8000, $0x38;
	[tilespmem:$0x11000] =	vst v63  }
0x27: {  	s13 =	sadd.s32 s13, s4;
	s10 =	sadd.s32 $0x4000, s10;
	_ =	swait.ge @!p1 [sflag:s12], $0x8000  }
0x28: {  	p2 =	sgt.u32 s13, $0x7A0;
	[sflag:s12] =	ssyncset.done @!p1 $0x0  }
0x29: {  	s11 =	simm.s32 @!p2 $0x1000;
	s13 =	simm.s32 @!p2 $0x7A1400;
	[sflag:s12] =	ssyncadd.s32 @!p1 $0xFFFF8000  }
0x2a: {  	s12 =	simm.s32 @!p2 $0x0;
	s14 =	simm.s32 @!p2 $0x2;
	[bflag:$0x0] =	sbarrier.arrive @p2 $0xFFFF  }
0x2b: {  	[tilespmem:s12], [sflag:$0x2] =	stream.strided.gather @!p2 [hbm4b:s10+s11], $0x8000, s13, s11, $0x38;
	[tilespmem:$0x11000] =	vst v63  }
0x2c: {  	p1 =	por p2, p2;
	_ =	swait.ge @!p2 [sflag:s14], $0x8000  }
0x2d: {  	s3 =	sadd.s32 $0x1, s3;
	[sflag:s14] =	ssyncset.done @!p1 $0x0  }
0x2e: {  	s10 =	simm.s32 @!p1 $0x8000;
	p2 =	sne.s32 s3, s6;
	[sflag:s14] =	ssyncadd.s32 @!p1 $0xFFFF8000  }
.Ltmp1:
0x2f: {  	s11 =	simm.s32 @!p1 $0x1;
	[bflag:$0x0] =	sbarrier.arrive @!p1 $0xFFFF;
	(pc) =	sbr.rel @p2 .LBB2_1-.Ltmp1, $4  }
0x30: {  	[hbm4b:s9+s12] =	stream.linear.scatter @!p1 [tilespmem:s10], [sflag:$0x1], $0x8000, $0x38;
	[tilespmem:$0x11000] =	vst v63  }
0x31: {  	_ =	swait.ge @!p1 [sflag:s11], $0x8000  }
0x32: {  	[sflag:s11] =	ssyncset.done @!p1 $0x0  }
0x33: {  	[sflag:s11] =	ssyncadd.s32 @!p1 $0xFFFF8000  }
0x34: {  	_ =	sfence.sel $0x180000  }
0x35: {  	[bflag:$0x0] =	sbarrier.arrive $0xFFFF  }
0x36: {  	p0 =	sne.s32 s2, $0x0;
	_ =	strace $0x90000047  }
0x37: {  	s0 =	sadd.s32 @!p0 $0x100000, s0;
	[bflag:$0x2] =	sbarrier.arrive $0xFFFF  }
0x38: {  	[sflag:s0] =	ssyncadd.tile.s32 @!p0 $0x1;
	_ =	shalt  }
.Lfunc_end2:
_tile_overlayer_lowered:
.L_overlay_start_2:
0x39: {  	(tag) =	ssettag $0x2  }
0x3a: {  	s0 =	rddreg [dreg:$0x0];
	s2 =	stileid.u32  }
0x3b: {  	s1 =	rddreg [dreg:$0x1];
	p0 =	sne.s32 s2, $0x0  }
0x3c: {  	s3 =	rddreg [dreg:$0x2];
	[bflag:$0x3] =	sbarrier.arrive $0xFFFF;
	s2 =	simm.s32 @!p0 $0x1C01  }
0x3d: {  	[timem:s3], [sflag:s2] =	dma.local @!p0 [hbm:s0], s1  }
0x3e: {  	s0 =	simm.s32 @!p0 $0x1  }
0x3f: {  	_ =	swait.ge @!p0 [sflag:s0], s1  }
0x40: {  	s1 =	ssub.s32 @!p0 $0x0, s1;
	[sflag:s0] =	ssyncset.done @!p0 $0x0  }
0x41: {  	[sflag:s0] =	ssyncadd.s32 @!p0 s1  }
0x42: {  	[bflag:$0x3] =	sbarrier.arrive $0xFFFF  }
0x43: {  	_ =	shalt  }

// kernel: kernel.8.cloned.1.call-start
scs
__scs_entry_jumppad:
0x0: {  	(pc) =	sbr.rel $0x88, $3  }
0x1: {  	(tag) =	ssettag $0x0;
	lr =	simm.s32 $0x1  }
0x2: {  	[smem:$0x3F99] =	sst lr;
	_ =	strace $0xD0000000  }
0x3: {  	_ = 	snop  }
0x4: {  	_ = 	snop  }
0x5: {  	_ = 	snop  }
0x6: {  	_ = 	snop  }
0x7: {  	_ = 	snop  }
__scs_overlays_trampoline_lowered:
0x8: {  	[smem:$0x3FA8] =	sst s0  }
0x9: {  	[smem:$0x3FA9] =	sst s1  }
0xa: {  	[smem:$0x3FAA] =	sst s2  }
0xb: {  	[smem:$0x3FAB] =	sst s3  }
0xc: {  	[smem:$0x3FAC] =	sst s4  }
0xd: {  	[smem:$0x3FAD] =	sst s5  }
0xe: {  	[smem:$0x3FAE] =	sst s6  }
0xf: {  	[smem:$0x3FAF] =	sst s7  }
0x10: {  	[smem:$0x3FB0] =	sst s8  }
0x11: {  	[smem:$0x3FB1] =	sst s9;
	s0 =	simm.s32 @!p0 $0x0  }
0x12: {  	s1 =	sld [smem:$0x3F97];
	s0 =	simm.s32 @p0 $0x1  }
0x13: {  	[smem:$0x3FB2] =	sst s0;
	s0 =	simm.s32 @!p1 $0x0  }
0x14: {  	s2 =	sld [smem:$0x3F96];
	s0 =	simm.s32 @p1 $0x1  }
0x15: {  	[smem:$0x3FB3] =	sst s0;
	s0 =	simm.s32 @!p2 $0x0  }
0x16: {  	s3 =	sld [smem:$0x3FDB];
	s0 =	simm.s32 @p2 $0x1  }
0x17: {  	s4 =	simm.s32 $0x1BF5;
	[smem:$0x3FB5] =	sst s0  }
0x18: {  	s0 =	sld [smem:$0x3F98];
	_ =	swait.ge [sflag:s4], $0x0  }
0x19: {  	s7 =	sld [smem:$0x3F99]  }
0x1a: {  	s8 =	sadd.s32 $0xFFFFE003, lr  }
0x1b: {  	s9 =	sadd.s32 $0xFFFFFEF7, lr;
	s5 =	simm.s32 $0xFFFFFFFF;
	p2 =	slt.u32 s8, $0xFFFFF086  }
0x1c: {  	p1 =	slt.u32 s9, $0xF7A;
	s5 =	simm.s32 @!p2 $0x0  }
0x1d: {  	s5 =	simm.s32 @p1 $0x1;
	p0 =	seq.s32 s7, s2  }
0x1e: {  	s7 =	smul.u32 @!p0 $0xF7A, s2;
	p2 =	seq.s32 @!p0 s5, $0x0  }
0x1f: {  	s9 =	smul.u32 $0xF7A, s1;
	s8 =	simm.s32 @!p0 $0x1BF5;
	p2 =	por !p2, p0  }
0x20: {  	[sflag:s8] =	ssyncset.s32 @!p0 $0xFFFFF086;
	s6 =	sadd.s32 @!p0 s3, s7;
	s7 =	simm.s32 @!p0 $0x108  }
0x21: {  	s3 =	sadd.s32 s3, s9;
	s6 =	sadd.s32 @!p0 $0x88, s6;
	s7 =	simm.s32 @p2 $0x1082  }
0x22: {  	[simem:s7], [sflag:s8] =	dma.local @!p0 [hbm:s6], $0xF7A  }
0x23: {  	s9 =	sor.u32 $0xD0000000, s2;
	s6 =	simm.s32 $0x108;
	_ =	swait.ge @!p0 [sflag:s8], $0x0  }
0x24: {  	s3 =	sadd.s32 $0x88, s3;
	s6 =	simm.s32 @!p1 $0x1082;
	[sflag:s4] =	ssyncset.s32 $0xFFFFF086  }
0x25: {  	[simem:s6], [sflag:s4] =	dma.local [hbm:s3], $0xF7A  }
0x26: {  	[smem:$0x3F99] =	sst s1;
	(tag) =	ssettag s2;
	_ =	strace s9  }
0x27: {  	s1 =	sld [smem:$0x3FA9]  }
0x28: {  	s2 =	sld [smem:$0x3FAA]  }
0x29: {  	s4 =	sld [smem:$0x3FAC]  }
0x2a: {  	p0 =	seq.s32 s5, $0x0;
	s5 =	sld [smem:$0x3FAD]  }
0x2b: {  	s6 =	sld [smem:$0x3FAE]  }
0x2c: {  	s7 =	sld [smem:$0x3FAF]  }
0x2d: {  	s3 =	simm.s32 $0x108;
	s8 =	sld [smem:$0x3FB0]  }
0x2e: {  	s3 =	simm.s32 @!p0 $0x1082;
	s9 =	sld [smem:$0x3FB1]  }
0x2f: {  	lr =	sadd.s32 s0, s3;
	s0 =	sld [smem:$0x3FA8]  }
0x30: {  	s3 =	sld [smem:$0x3FAB]  }
0x31: {  	[smem:$0x3FB4] =	sst s10  }
0x32: {  	s10 =	sld [smem:$0x3FB2];
	_ =	sdelay $0x3  }
0x33: {  	p0 =	seq.s32 s10, $0x1;
	s10 =	sld [smem:$0x3FB4];
	_ =	sdelay $0x3  }
0x34: {  	[smem:$0x3FB4] =	sst s10  }
0x35: {  	s10 =	sld [smem:$0x3FB3];
	_ =	sdelay $0x3  }
0x36: {  	p1 =	seq.s32 s10, $0x1;
	s10 =	sld [smem:$0x3FB4];
	_ =	sdelay $0x3  }
0x37: {  	[smem:$0x3FB4] =	sst s10  }
0x38: {  	s10 =	sld [smem:$0x3FB5]  }
0x39: {  	_ = 	snop;
	(pc) =	sbr.ind lr, $3  }
0x3a: {  	_ = 	snop  }
0x3b: {  	_ = 	snop  }
0x3c: {  	p2 =	seq.s32 s10, $0x1;
	s10 =	sld [smem:$0x3FB4]  }
0x3d: {  	_ =	shalt  }
0x3e: {  	_ =	shalt  }
0x3f: {  	_ =	shalt  }
0x40: {  	_ =	shalt  }
0x41: {  	_ =	shalt  }
0x42: {  	_ =	shalt  }
0x43: {  	_ =	shalt  }
0x44: {  	_ =	shalt  }
0x45: {  	_ =	shalt  }
0x46: {  	_ =	shalt  }
0x47: {  	_ =	shalt  }
0x48: {  	_ =	shalt  }
0x49: {  	_ =	shalt  }
0x4a: {  	_ =	shalt  }
0x4b: {  	_ =	shalt  }
0x4c: {  	_ =	shalt  }
0x4d: {  	_ =	shalt  }
0x4e: {  	_ =	shalt  }
0x4f: {  	_ =	shalt  }
0x50: {  	_ =	shalt  }
0x51: {  	_ =	shalt  }
0x52: {  	_ =	shalt  }
0x53: {  	_ =	shalt  }
0x54: {  	_ =	shalt  }
0x55: {  	_ =	shalt  }
0x56: {  	_ =	shalt  }
0x57: {  	_ =	shalt  }
0x58: {  	_ =	shalt  }
0x59: {  	_ =	shalt  }
0x5a: {  	_ =	shalt  }
0x5b: {  	_ =	shalt  }
0x5c: {  	_ =	shalt  }
0x5d: {  	_ =	shalt  }
0x5e: {  	_ =	shalt  }
0x5f: {  	_ =	shalt  }
0x60: {  	_ =	shalt  }
0x61: {  	_ =	shalt  }
0x62: {  	_ =	shalt  }
0x63: {  	_ =	shalt  }
0x64: {  	_ =	shalt  }
0x65: {  	_ =	shalt  }
0x66: {  	_ =	shalt  }
0x67: {  	_ =	shalt  }
0x68: {  	_ =	shalt  }
0x69: {  	_ =	shalt  }
0x6a: {  	_ =	shalt  }
0x6b: {  	_ =	shalt  }
0x6c: {  	_ =	shalt  }
0x6d: {  	_ =	shalt  }
0x6e: {  	_ =	shalt  }
0x6f: {  	_ =	shalt  }
0x70: {  	_ =	shalt  }
0x71: {  	_ =	shalt  }
0x72: {  	_ =	shalt  }
0x73: {  	_ =	shalt  }
0x74: {  	_ =	shalt  }
0x75: {  	_ =	shalt  }
0x76: {  	_ =	shalt  }
0x77: {  	_ =	shalt  }
0x78: {  	_ =	shalt  }
0x79: {  	_ =	shalt  }
0x7a: {  	_ =	shalt  }
0x7b: {  	_ =	shalt  }
0x7c: {  	_ =	shalt  }
0x7d: {  	_ =	shalt  }
0x7e: {  	_ =	shalt  }
0x7f: {  	_ =	shalt  }
0x80: {  	_ =	shalt  }
0x81: {  	_ =	shalt  }
0x82: {  	_ =	shalt  }
0x83: {  	_ =	shalt  }
0x84: {  	_ =	shalt  }
0x85: {  	_ =	shalt  }
0x86: {  	_ =	shalt  }
0x87: {  	_ =	shalt  }
.Lfunc_end0:
.L_simem_size_0:
called_computation.1_lowered:
.L_overlay_start_0:
0x88: {  	s2 =	sld [smem:$0x3FD9]  }
0x89: {  	s3 =	sld [smem:$0x3FFE];
	_ =	sdelay $0x1  }
0x8a: {  	s1 =	srdreg.scid  }
0x8b: {  	s0 =	sand.u32 $0x1, s1  }
0x8c: {  	s16 =	sshll.u32 s0, $0xA;
	s2 =	sadd.s32 s3, s2  }
0x8d: {  	s2 =	sadd.s32 s2, s16  }
0x8e: {  	[smem:$0x3FC0] =	sst s2  }
0x8f: {  	_ = 	snop  }
0x90: {  	(tm) =	ssettm $0x1  }
0x91: {  	s17 =	sld [smem:$0x3FFB];
	_ =	sdelay $0x3  }
0x92: {  	_ =	strace s17  }
0x93: {  	s2 =	sld [smem:$0x3FFC];
	_ =	sdelay $0x3  }
0x94: {  	_ =	strace s2  }
0x95: {  	s2 =	sld [smem:$0x3FFD];
	_ =	sdelay $0x3  }
0x96: {  	_ =	strace s2  }
0x97: {  	_ =	strace $0x8FFFFFFF  }
0x98: {  	s18 =	sld [smem:$0x3FDB];
	_ =	sdelay $0x1  }
0x99: {  	s19 =	simm.s32 $_scs_section_size  }
0x9a: {  	s4 =	simm.s32 $_size__tile_overlayer_lowered;
	s5 =	simm.s32 $_tile_overlayer_lowered  }
0x9b: {  	s22 =	simm.s32 $0x1BFF;
	s21 =	sshll.u32 s5, $0x1;
	s2 =	sadd.s32 s19, s18  }
0x9c: {  	s6 =	simm.s32 $0x0;
	s20 =	sshll.u32 s4, $0x1;
	s4 =	sadd.s32 s21, s2  }
0x9d: {  	[timem:s6], [sflag:s22] =	dma.local [hbm:s4], s20  }
0x9e: {  	_ =	swait.ge [sflag:s22], s20  }
0x9f: {  	s3 =	ssub.s32 $0x0, s20;
	[sflag:s22] =	ssyncset.done $0x0  }
0xa0: {  	[sflag:s22] =	ssyncadd.s32 s3;
	_ =	sdelay $0x1  }
0xa1: {  	s23 =	simm.s32 $0x1B8B  }
0xa2: {  	_ =	swait.ge [sflag:s23], $0x1  }
0xa3: {  	[sflag:s23] =	ssyncset.done $0x0  }
0xa4: {  	s25 =	simm.s32 $0x1B8E;
	s24 =	sld [smem:$0x3FFE];
	[sflag:s23] =	ssyncadd.s32 $0xFFFFFFFF  }
0xa5: {  	s26 =	simm.s32 $execute0_lowered;
	[smem:$0x3FD2] =	sst s25  }
0xa6: {  	s4 =	sshll.u32 s26, $0x1;
	_ =	strace $0x80000049;
	[dreg:$0x1] =	wrdreg $0xFFFFFFFF  }
0xa7: {  	s28 =	simm.s32 $_size_execute0_lowered;
	s2 =	sadd.s32 s2, s4;
	[dreg:$0x0] =	wrdreg $0x0  }
0xa8: {  	s4 =	sshll.u32 s28, $0x1;
	[dreg:$0x2] =	wrdreg s2  }
0xa9: {  	[dreg:$0x3] =	wrdreg s4  }
0xaa: {  	[dreg:$0x4] =	wrdreg $0xC0  }
0xab: {  	_ =	task [dreg:s6], $0x5FFFF  }
0xac: {  	[dreg:$0x1] =	wrdreg $0xFFFFFFFF  }
0xad: {  	[dreg:$0x0] =	wrdreg $0x60  }
0xae: {  	[dreg:$0x2] =	wrdreg s24  }
0xaf: {  	[dreg:$0x3] =	wrdreg $0x9  }
0xb0: {  	_ =	task.clear_ibuf [dreg:s6], $0x4FFFF;
	_ =	strace $0x90000049  }
0xb1: {  	s29 =	simm.s32 $0x9;
	_ =	strace $0x8000004B  }
0xb2: {  	_ =	swait.ge [sflag:s29], $0x1  }
0xb3: {  	[sflag:s29] =	ssyncadd.s32 $0xFFFFFFFF  }
0xb4: {  	_ =	strace $0x9000004B  }
0xb5: {  	_ =	sfence  }
0xb6: {  	s30 =	sld [smem:$0x0];
	_ =	sdelay $0x2  }
0xb7: {  	s31 =	sshll.u32 s1, $0xD;
	s1 =	sshrl.u32 s1, $0x2  }
0xb8: {  	s3 =	sand.u32 $0x4000, s31;
	s1 =	sadd.s32 s1, s30  }
0xb9: {  	s0 =	sor.u32 s3, s0;
	s1 =	sshll.u32 s1, $0x11  }
0xba: {  	s0 =	sor.u32 s1, s0  }
0xbb: {  	s0 =	sadd.s32 $0x8F2B, s0  }
0xbc: {  	[sflag:s0] =	ssyncadd.remote.s32 $0x1  }
0xbd: {  	_ =	sfence.sel $0xFFFF  }
0xbe: {  	[dreg:$0x0] =	wrdreg $0xFFFFFFFF;
	(pc) =	sbr.abs _section_cstart, $3  }
0xbf: {  	[dreg:$0x1] =	wrdreg $0xFFFFFFFF  }
0xc0: {  	_ =	task.clear_ibuf [dreg:s6], $0x2FFFF;
	_ =	strace $0x9FFFFFFF  }
0xc1: {  	(tm) =	ssettm $0x7FFFFFFF  }
tec
execute0_lowered:
.L_overlay_start_1:
0x0: {  	(tag) =	ssettag $0x1  }
0x1: {  	s1 =	srdreg.scid  }
0x2: {  	s0 =	stileid.u32;
	s4 =	rddreg [dreg:$0x0]  }
0x3: {  	s2 =	simm.s32 $0x0;
	s9 =	simm.s32 $0xC00;
	s10 =	simm.s32 $0x50  }
0x4: {  	s11 =	simm.s32 $0x1800;
	s12 =	simm.s32 $0x1;
	s13 =	simm.s32 $0x6800  }
0x5: {  	s14 =	simm.s32 $0x4000;
	s15 =	simm.s32 $0x2;
	s5 =	sand.u32 $0x1, s1  }
0x6: {  	s3 =	sshll.u32 s0, $0x1;
	s1 =	rddreg [dreg:$0x1];
	s7 =	smul.u32 $0xC800, s0  }
0x7: {  	s3 =	sor.u32 s5, s3;
	s8 =	ssub.s32 $0x2, s5;
	s5 =	smul.u32 $0x6400, s5  }
0x8: {  	s16 =	simm.s32 $0x0;
	[smem:$0x7FF] =	sst s2;
	s6 =	smul.u32 $0x180, s3  }
0x9: {  	_ =	strace $0x8000004A;
	s3 =	sadd.s32 $0x1800, s4;
	s7 =	sadd.s32 s7, s4  }
0xa: {  	s31 =	sshrl.u32 s8, $0x1;
	s7 =	sadd.s32 s5, s7;
	s6 =	sadd.s32 s6, s4  }
0xb: {  	s8 =	ssub.s32 s8, s31;
	s7 =	sadd.s32 $0x7A8A00, s7;
	s4 =	sadd.s32 $0x7A2A00, s6  }
0xc: {  	s5 =	sadd.s32 $0x7A5A00, s6;
	s6 =	smax.u32 s8, $0x1;
	s8 =	simm.s32 $0x3  }
.LBB2_1:
0xd: {  	[tilespmem:s2], [sflag:$0x3] =	stream.linear.gather [hbm4b:s4+s2], $0xA00, $0x38;
	[tilespmem:$0x9000] =	vst v63  }
0xe: {  	_ =	swait.ge [sflag:s8], $0xA00  }
0xf: {  	[sflag:s8] =	ssyncset.done $0x0  }
0x10: {  	[sflag:s8] =	ssyncadd.s32 $0xFFFFF600  }
0x11: {  	[tilespmem:s9], [sflag:$0x3] =	stream.linear.gather [hbm4b:s5+s2], $0xA00, $0x38;
	[tilespmem:$0x9000] =	vst v63  }
0x12: {  	_ =	swait.ge [sflag:s8], $0xA00  }
0x13: {  	[sflag:s8] =	ssyncset.done $0x0  }
0x14: {  	s17 =	simm.s32 $0x0;
	[sflag:s8] =	ssyncadd.s32 $0xFFFFF600  }
0x15: {  	[tilespmem:s11], [sflag:$0x1] =	stream.indirect.gather [hbm4b:s3+s10], $0x80, s17, s10, $0xb8;
	[tilespmem:$0x9000] =	vst v63  }
0x16: {  	_ =	swait.ge [sflag:s12], $0x2800  }
0x17: {  	[sflag:s12] =	ssyncset.done $0x0  }
0x18: {  	[sflag:s12] =	ssyncadd.s32 $0xFFFFD800  }
0x19: {  	[bflag:$0x0] =	sbarrier.arrive $0xFFFF  }
0x1a: {  	[bflag:$0x0] =	sbarrier.arrive $0xFFFF  }
0x1b: {  	[hbm4b:s7+s2] =	stream.linear.scatter [tilespmem:s13], [sflag:$0x3], $0x2800, $0x38;
	[tilespmem:$0x9000] =	vst v63  }
0x1c: {  	_ =	swait.ge [sflag:s8], $0x2800  }
0x1d: {  	[sflag:s8] =	ssyncset.done $0x0  }
0x1e: {  	s30 =	simm.s32 $0x80;
	[sflag:s8] =	ssyncadd.s32 $0xFFFFD800  }
0x1f: {  	[tilespmem:s14], [sflag:$0x2] =	stream.indirect.gather [hbm4b:s3+s10], $0x80, s30, s10, $0xb8;
	[tilespmem:$0x9000] =	vst v63  }
0x20: {  	_ =	swait.ge [sflag:s15], $0x2800  }
0x21: {  	[sflag:s15] =	ssyncset.done $0x0  }
0x22: {  	[sflag:s15] =	ssyncadd.s32 $0xFFFFD800  }
0x23: {  	[bflag:$0x0] =	sbarrier.arrive $0xFFFF  }
0x24: {  	s31 =	sadd.s32 $0x500, s7;
	[bflag:$0x0] =	sbarrier.arrive $0xFFFF  }
0x25: {  	[hbm4b:s31+s2] =	stream.linear.scatter [tilespmem:s13], [sflag:$0x3], $0x2800, $0x38;
	[tilespmem:$0x9000] =	vst v63  }
0x26: {  	s18 =	simm.s32 $0x400;
	_ =	swait.ge [sflag:s8], $0x2800  }
0x27: {  	s19 =	simm.s32 $0x800;
	s17 =	sadd.s32 $0xA00, s7;
	[sflag:s8] =	ssyncset.done $0x0  }
.LBB2_2:
0x28: {  	s20 =	sshra.s32 s18, $0x2  }
0x29: {  	[sflag:s8] =	ssyncadd.s32 $0xFFFFD800;
	s18 =	smov.u32 s19;
	s21 =	sadd.s32 $0x400, s19  }
0x2a: {  	[tilespmem:s11], [sflag:$0x1] =	stream.indirect.gather [hbm4b:s3+s10], $0x80, s20, s10, $0xb8;
	[tilespmem:$0x9000] =	vst v63  }
0x2b: {  	p0 =	sne.s32 s19, $0x2400;
	_ =	swait.ge [sflag:s12], $0x2800  }
0x2c: {  	[sflag:s12] =	ssyncset.done $0x0  }
0x2d: {  	[sflag:s12] =	ssyncadd.s32 $0xFFFFD800  }
0x2e: {  	[bflag:$0x0] =	sbarrier.arrive $0xFFFF  }
0x2f: {  	[bflag:$0x0] =	sbarrier.arrive $0xFFFF  }
0x30: {  	[hbm4b:s17+s2] =	stream.linear.scatter [tilespmem:s13], [sflag:$0x3], $0x2800, $0x38;
	[tilespmem:$0x9000] =	vst v63  }
0x31: {  	_ =	swait.ge [sflag:s8], $0x2800  }
0x32: {  	[sflag:s8] =	ssyncset.done $0x0  }
0x33: {  	s19 =	sadd.s32 $0x80, s20;
	[sflag:s8] =	ssyncadd.s32 $0xFFFFD800  }
0x34: {  	[tilespmem:s14], [sflag:$0x2] =	stream.indirect.gather [hbm4b:s3+s10], $0x80, s19, s10, $0xb8;
	[tilespmem:$0x9000] =	vst v63  }
0x35: {  	_ =	swait.ge [sflag:s15], $0x2800  }
0x36: {  	[sflag:s15] =	ssyncset.done $0x0  }
0x37: {  	[sflag:s15] =	ssyncadd.s32 $0xFFFFD800  }
.Ltmp0:
0x38: {  	[bflag:$0x0] =	sbarrier.arrive $0xFFFF;
	(pc) =	sbr.rel @p0 .LBB2_2-.Ltmp0, $4  }
0x39: {  	s19 =	sadd.s32 $0x500, s17;
	[bflag:$0x0] =	sbarrier.arrive $0xFFFF  }
0x3a: {  	[hbm4b:s19+s2] =	stream.linear.scatter [tilespmem:s13], [sflag:$0x3], $0x2800, $0x38;
	[tilespmem:$0x9000] =	vst v63  }
0x3b: {  	_ =	swait.ge [sflag:s8], $0x2800  }
0x3c: {  	s17 =	sadd.s32 $0xA00, s17;
	s19 =	smov.u32 s21;
	[sflag:s8] =	ssyncset.done $0x0  }
0x3d: {  	s18 =	sshra.s32 s18, $0x2;
	[sflag:s8] =	ssyncadd.s32 $0xFFFFD800  }
0x3e: {  	[tilespmem:s11], [sflag:$0x1] =	stream.indirect.gather [hbm4b:s3+s10], $0x80, s18, s10, $0xb8;
	[tilespmem:$0x9000] =	vst v63  }
0x3f: {  	_ =	swait.ge [sflag:s12], $0x2800  }
0x40: {  	[sflag:s12] =	ssyncset.done $0x0  }
0x41: {  	[sflag:s12] =	ssyncadd.s32 $0xFFFFD800  }
0x42: {  	[bflag:$0x0] =	sbarrier.arrive $0xFFFF  }
0x43: {  	[bflag:$0x0] =	sbarrier.arrive $0xFFFF  }
0x44: {  	[hbm4b:s17+s2] =	stream.linear.scatter [tilespmem:s13], [sflag:$0x3], $0x2800, $0x38;
	[tilespmem:$0x9000] =	vst v63  }
0x45: {  	_ =	swait.ge [sflag:s8], $0x2800  }
0x46: {  	[sflag:s8] =	ssyncset.done $0x0  }
0x47: {  	s18 =	sadd.s32 $0x80, s18;
	[sflag:s8] =	ssyncadd.s32 $0xFFFFD800  }
0x48: {  	[tilespmem:s14], [sflag:$0x2] =	stream.indirect.gather [hbm4b:s3+s10], $0x80, s18, s10, $0xb8;
	[tilespmem:$0x9000] =	vst v63  }
0x49: {  	_ =	swait.ge [sflag:s15], $0x2800  }
0x4a: {  	[sflag:s15] =	ssyncset.done $0x0  }
0x4b: {  	s16 =	sadd.s32 $0x1, s16;
	[sflag:s15] =	ssyncadd.s32 $0xFFFFD800  }
0x4c: {  	p0 =	sne.s32 s16, s6;
	[bflag:$0x0] =	sbarrier.arrive $0xFFFF  }
.Ltmp1:
0x4d: {  	s31 =	sadd.s32 $0x500, s17;
	[bflag:$0x0] =	sbarrier.arrive $0xFFFF;
	(pc) =	sbr.rel @p0 .LBB2_1-.Ltmp1, $4  }
0x4e: {  	[hbm4b:s31+s2] =	stream.linear.scatter [tilespmem:s13], [sflag:$0x3], $0x2800, $0x38;
	[tilespmem:$0x9000] =	vst v63  }
0x4f: {  	_ =	swait.ge [sflag:s8], $0x2800  }
0x50: {  	[sflag:s8] =	ssyncset.done $0x0  }
0x51: {  	[sflag:s8] =	ssyncadd.s32 $0xFFFFD800  }
0x52: {  	_ =	sfence.sel $0x180000  }
0x53: {  	[bflag:$0x0] =	sbarrier.arrive $0xFFFF  }
0x54: {  	p0 =	sne.s32 s0, $0x0;
	_ =	strace $0x9000004A  }
0x55: {  	s0 =	sadd.s32 @!p0 $0x100000, s1;
	[bflag:$0x2] =	sbarrier.arrive $0xFFFF  }
0x56: {  	[sflag:s0] =	ssyncadd.tile.s32 @!p0 $0x1;
	_ =	shalt  }
.Lfunc_end2:
_tile_overlayer_lowered:
.L_overlay_start_2:
0x57: {  	(tag) =	ssettag $0x2  }
0x58: {  	s0 =	rddreg [dreg:$0x0];
	s2 =	stileid.u32  }
0x59: {  	s1 =	rddreg [dreg:$0x1];
	p0 =	sne.s32 s2, $0x0  }
0x5a: {  	s3 =	rddreg [dreg:$0x2];
	[bflag:$0x3] =	sbarrier.arrive $0xFFFF;
	s2 =	simm.s32 @!p0 $0x1C03  }
0x5b: {  	[timem:s3], [sflag:s2] =	dma.local @!p0 [hbm:s0], s1  }
0x5c: {  	s0 =	simm.s32 @!p0 $0x3  }
0x5d: {  	_ =	swait.ge @!p0 [sflag:s0], s1  }
0x5e: {  	s1 =	ssub.s32 @!p0 $0x0, s1;
	[sflag:s0] =	ssyncset.done @!p0 $0x0  }
0x5f: {  	[sflag:s0] =	ssyncadd.s32 @!p0 s1  }
0x60: {  	[bflag:$0x3] =	sbarrier.arrive $0xFFFF  }
0x61: {  	_ =	shalt  }

</sc_bundles>
